<compile_context>
chip_gen: v7x
topology: tpu7x:2x2x1
jax: 0.10.2.dev20260603
libtpu: 0.0.44.dev20260713+nightly
codegen_flags: <defaults>
</compile_context>

<pallas_src>
import functools

import jax
import jax.numpy as jnp
from jax import lax
from jax.experimental import pallas as pl
from jax.experimental.pallas import tpu as pltpu
from jax.experimental.pallas import tpu_sc as plsc

N_POSES = 1024
MAX_BLOCKS = 512
N_WEIGHTS = 100
LANES = 16
NUM_CORES = 2
NUM_SUBCORES = 16
NUM_WORKERS = NUM_CORES * NUM_SUBCORES
POSES_PER_WORKER = N_POSES // NUM_WORKERS
POSE_GROUPS = POSES_PER_WORKER // LANES
WORDS_PER_POSE = MAX_BLOCKS // 2
PAIR_CHUNKS = WORDS_PER_POSE // LANES
SLAB_WORDS = POSES_PER_WORKER * WORDS_PER_POSE
W_PAD = 128
N_ACC = 4


def _make_sc_kernel():
    mesh = plsc.VectorSubcoreMesh(core_axis_name="c", subcore_axis_name="s")

    @functools.partial(
        pl.kernel,
        mesh=mesh,
        out_type=jax.ShapeDtypeStruct((N_POSES,), jnp.float32),
        scratch_types=[
            pltpu.VMEM((POSES_PER_WORKER, WORDS_PER_POSE), jnp.int32),
            pltpu.VMEM((W_PAD * LANES,), jnp.float32),
            pltpu.VMEM((POSES_PER_WORKER * LANES,), jnp.float32),
            pltpu.VMEM((POSES_PER_WORKER,), jnp.float32),
            pltpu.SemaphoreType.DMA,
            pltpu.SemaphoreType.DMA,
            pltpu.SemaphoreType.DMA,
        ],
        compiler_params=pltpu.CompilerParams(needs_layout_passes=False),
    )
    def sc_kernel(bt_hbm, w_hbm, out_hbm, bt_v, w_v, mat_v, out_v,
                  sem_w, sem_h0, sem_h1):
        wid = lax.axis_index("s") * NUM_CORES + lax.axis_index("c")
        base = wid * POSES_PER_WORKER
        half = POSES_PER_WORKER // POSE_GROUPS
        cp_w = pltpu.async_copy(w_hbm, w_v, sem_w)
        cp_h = [
            pltpu.async_copy(
                bt_hbm.at[pl.ds(base + g * half, half)],
                bt_v.at[pl.ds(g * half, half)],
                (sem_h0, sem_h1)[g],
            )
            for g in range(POSE_GROUPS)
        ]
        cp_w.wait()

        lane_ids = lax.iota(jnp.int32, LANES)
        lane16 = lane_ids * LANES
        zeros = jnp.zeros((LANES,), jnp.float32)

        for g in range(POSE_GROUPS):
            cp_h[g].wait()

            def pose_body(p, carry):
                pose = g * LANES + p
                accs = [zeros for _ in range(N_ACC)]
                for j in range(PAIR_CHUNKS):
                    pair = plsc.bitcast(
                        bt_v[pose, pl.ds(j * LANES, LANES)], jnp.int16
                    )
                    lo, hi = plsc.unpack(pair, format=plsc.PackFormat.INTERLEAVED)
                    accs[(2 * j) % N_ACC] = accs[(2 * j) % N_ACC] + (
                        plsc.load_gather(w_v, [lo])
                    )
                    accs[(2 * j + 1) % N_ACC] = accs[(2 * j + 1) % N_ACC] + (
                        plsc.load_gather(w_v, [hi])
                    )
                acc = (accs[0] + accs[1]) + (accs[2] + accs[3])
                sidx = pose * LANES + ((lane_ids + pose) & (LANES - 1))
                plsc.store_scatter(mat_v, [sidx], acc)
                return carry

            lax.fori_loop(0, LANES, pose_body, 0)

            tot = zeros
            for j in range(LANES):
                cidx = lane16 + ((lane_ids + j) & (LANES - 1)) + g * LANES * LANES
                tot = tot + plsc.load_gather(mat_v, [cidx])
            out_v[pl.ds(g * LANES, LANES)] = tot

        pltpu.sync_copy(out_v, out_hbm.at[pl.ds(wid * POSES_PER_WORKER,
                                                POSES_PER_WORKER)])

    return sc_kernel


_SC_KERNEL = _make_sc_kernel()


def kernel(coords, pose_stack_block_coord_offset, pose_stack_block_types,
           pose_stack_inter_block_connections, bt_atom_downstream_of_conn,
           ref_weights):
    col_lane = jnp.arange(MAX_BLOCKS, dtype=jnp.int32) % LANES
    widx = ((pose_stack_block_types + 1) << 4) + col_lane[None, :]
    packed = widx[:, :WORDS_PER_POSE] | (widx[:, WORDS_PER_POSE:] << 16)
    w_shifted = jnp.zeros((W_PAD,), jnp.float32).at[1:1 + N_WEIGHTS].set(
        ref_weights
    )
    w_interleaved = jnp.repeat(w_shifted, LANES)
    out = _SC_KERNEL(packed, w_interleaved)
    return out.reshape(1, N_POSES)

# --- scband reference (transcript-rebuilt; emitter-appended) ---
"""Pipeline reference for scband-ref-whole-pose-scoring-module-6837587935561 (READ-ONLY COPY).

The authoritative reference and input builder live on the scoring server;
editing this copy changes nothing except your own understanding.
"""

import jax, jax.numpy as jnp
import numpy as np

N_POSES = 1024
MAX_BLOCKS = 512
N_BLOCK_TYPES = 100
MAX_CONN = 4
MAX_ATOMS_PER_BLOCK = 30
MAX_ATOMS = 7680

def setup_inputs(seed: int = 0):
    key = jax.random.key(seed)
    k1, k2, k3, k4, k5, k6 = jax.random.split(key, 6)
    coords = jax.random.normal(k1, (N_POSES, MAX_ATOMS, 3), dtype=jnp.float32) * 10.0
    block_types = jax.random.randint(k2, (N_POSES, MAX_BLOCKS), 0, N_BLOCK_TYPES, dtype=jnp.int32)
    # mark trailing blocks as padding (-1), as in real pose stacks of ragged length
    block_types = block_types.at[:, MAX_BLOCKS - 64:].set(-1)
    block_coord_offset = jnp.sort(jax.random.randint(k3, (N_POSES, MAX_BLOCKS), 0, MAX_ATOMS, dtype=jnp.int32), axis=1)
    inter_block_connections = jax.random.randint(k4, (N_POSES, MAX_BLOCKS, MAX_CONN, 2), 0, MAX_BLOCKS, dtype=jnp.int32)
    bt_atom_downstream_of_conn = jax.random.randint(k5, (N_BLOCK_TYPES, MAX_CONN, MAX_ATOMS_PER_BLOCK), 0, MAX_ATOMS_PER_BLOCK, dtype=jnp.int32)
    ref_weights = jax.random.normal(k6, (N_BLOCK_TYPES,), dtype=jnp.float32)
    return {
        "coords": coords,
        "pose_stack_block_coord_offset": block_coord_offset,
        "pose_stack_block_types": block_types,
        "pose_stack_inter_block_connections": inter_block_connections,
        "bt_atom_downstream_of_conn": bt_atom_downstream_of_conn,
        "ref_weights": ref_weights,
    }

def reference(coords, pose_stack_block_coord_offset, pose_stack_block_types, pose_stack_inter_block_connections, bt_atom_downstream_of_conn, ref_weights):
    # Faithful translation of RefWholePoseScoringModule.forward:
    #   score = zeros_like(block_types, float32)
    #   score[real_blocks] = ref_weights[block_types[real_blocks]]   (embedding gather with -1 padding mask)
    #   score = score.sum(dim=1).unsqueeze(0)
    block_types = pose_stack_block_types
    real_blocks = block_types >= 0
    safe_bt = jnp.where(real_blocks, block_types, 0)
    gathered = jnp.take(ref_weights, safe_bt, axis=0)
    score = jnp.where(real_blocks, gathered, jnp.zeros((), dtype=jnp.float32))
    score = jnp.sum(score, axis=1)
    score = jnp.expand_dims(score, 0)
    return score

if __name__ == "__main__":
    import jax
    _d = setup_inputs()
    print(jax.jit(kernel)(*tuple(_d.values())))

</pallas_src>

<mosaic_0001>
#map = affine_map<(d0, d1) -> (0, 0)>
#map1 = affine_map<(d0, d1) -> (0)>
module attributes {stable_mosaic.version = 14 : i64} {
  func.func @sc_kernel(%arg0: i32, %arg1: i32, %arg2: memref<1024x256xi32, #tpu.memory_space<hbm>>, %arg3: memref<2048xf32, #tpu.memory_space<hbm>>, %arg4: memref<1024xf32, #tpu.memory_space<hbm>>, %arg5: memref<32x256xi32, #tpu.memory_space<vmem>>, %arg6: memref<2048xf32, #tpu.memory_space<vmem>>, %arg7: memref<512xf32, #tpu.memory_space<vmem>>, %arg8: memref<32xf32, #tpu.memory_space<vmem>>, %arg9: memref<!tpu.dma_semaphore, #tpu.memory_space<semaphore_mem>>, %arg10: memref<!tpu.dma_semaphore, #tpu.memory_space<semaphore_mem>>, %arg11: memref<!tpu.dma_semaphore, #tpu.memory_space<semaphore_mem>>) attributes {dimension_semantics = [#tpu.dimension_semantics<core_parallel>, #tpu.dimension_semantics<subcore_parallel>], iteration_bounds = array<i64: 2, 16>, scalar_prefetch = 0 : i64, scratch_operands = 7 : i64, tpu.core_type = #tpu.core_type<sc_vector_subcore>, window_params = [{transform_indices = #map}, {transform_indices = #map1}, {transform_indices = #map1}]} {
    %mul3A = arith.constant 2 : i32
    %mul3A_0 = arith.muli %arg1, %mul3A : i32
    %add3A = arith.addi %mul3A_0, %arg0 : i32
    %mul3A_1 = arith.constant 32 : i32
    %mul3A_2 = arith.muli %add3A, %mul3A_1 : i32
    tpu.enqueue_dma source(%arg3 : memref<2048xf32, #tpu.memory_space<hbm>>) target(%arg6 : memref<2048xf32, #tpu.memory_space<vmem>>) target_semaphore(%arg9 : memref<!tpu.dma_semaphore, #tpu.memory_space<semaphore_mem>>)
    %add3A_3 = arith.constant 0 : i32
    %add3A_4 = arith.addi %mul3A_2, %add3A_3 : i32
    %dma_start3A = arith.constant 0 : i32
    %dma_start3A_5 = arith.constant 0 : i32
    %dma_start3A_6 = tpu.memref_slice %arg5[%dma_start3A, %dma_start3A_5] : memref<32x256xi32, #tpu.memory_space<vmem>> -> memref<16x256xi32, #tpu.memory_space<vmem>>
    %dma_start3A_7 = arith.constant 0 : i32
    %dma_start3A_8 = tpu.memref_slice %arg2[%add3A_4, %dma_start3A_7] : memref<1024x256xi32, #tpu.memory_space<hbm>> -> memref<16x256xi32, #tpu.memory_space<hbm>>
    %dma_start3A_9 = arith.constant 0 : i32
    %dma_start3A_10 = arith.constant 0 : i32
    %dma_start3A_11 = tpu.memref_slice %arg5[%dma_start3A_9, %dma_start3A_10] : memref<32x256xi32, #tpu.memory_space<vmem>> -> memref<16x256xi32, #tpu.memory_space<vmem>>
    %dma_start3A_12 = arith.constant 0 : i32
    %dma_start3A_13 = tpu.memref_slice %arg2[%add3A_4, %dma_start3A_12] : memref<1024x256xi32, #tpu.memory_space<hbm>> -> memref<16x256xi32, #tpu.memory_space<hbm>>
    tpu.enqueue_dma source(%dma_start3A_13 : memref<16x256xi32, #tpu.memory_space<hbm>>) target(%dma_start3A_11 : memref<16x256xi32, #tpu.memory_space<vmem>>) target_semaphore(%arg10 : memref<!tpu.dma_semaphore, #tpu.memory_space<semaphore_mem>>)
    %add3A_14 = arith.constant 16 : i32
    %add3A_15 = arith.addi %mul3A_2, %add3A_14 : i32
    %dma_start3A_16 = arith.constant 16 : i32
    %dma_start3A_17 = arith.constant 0 : i32
    %dma_start3A_18 = tpu.memref_slice %arg5[%dma_start3A_16, %dma_start3A_17] : memref<32x256xi32, #tpu.memory_space<vmem>> -> memref<16x256xi32, #tpu.memory_space<vmem>>
    %dma_start3A_19 = arith.constant 0 : i32
    %dma_start3A_20 = tpu.memref_slice %arg2[%add3A_15, %dma_start3A_19] : memref<1024x256xi32, #tpu.memory_space<hbm>> -> memref<16x256xi32, #tpu.memory_space<hbm>>
    %dma_start3A_21 = arith.constant 16 : i32
    %dma_start3A_22 = arith.constant 0 : i32
    %dma_start3A_23 = tpu.memref_slice %arg5[%dma_start3A_21, %dma_start3A_22] : memref<32x256xi32, #tpu.memory_space<vmem>> -> memref<16x256xi32, #tpu.memory_space<vmem>>
    %dma_start3A_24 = arith.constant 0 : i32
    %dma_start3A_25 = tpu.memref_slice %arg2[%add3A_15, %dma_start3A_24] : memref<1024x256xi32, #tpu.memory_space<hbm>> -> memref<16x256xi32, #tpu.memory_space<hbm>>
    tpu.enqueue_dma source(%dma_start3A_25 : memref<16x256xi32, #tpu.memory_space<hbm>>) target(%dma_start3A_23 : memref<16x256xi32, #tpu.memory_space<vmem>>) target_semaphore(%arg11 : memref<!tpu.dma_semaphore, #tpu.memory_space<semaphore_mem>>)
    tpu.wait_dma2 semaphore(%arg9 : memref<!tpu.dma_semaphore, #tpu.memory_space<semaphore_mem>>) src(%arg3 : memref<2048xf32, #tpu.memory_space<hbm>>) dst(%arg6 : memref<2048xf32, #tpu.memory_space<vmem>>)
    %iota3A = tpu.iota {dimensions = array<i32: 0>} : vector<16xi32>
    %mul3A_26 = arith.constant 16 : i32
    %mul3A_27 = vector.broadcast %mul3A_26 : i32 to vector<16xi32>
    %mul3A_28 = arith.muli %iota3A, %mul3A_27 : vector<16xi32>
    %broadcast_in_dim3A = arith.constant 0.000000e+00 : f32
    %broadcast_in_dim3A_29 = vector.broadcast %broadcast_in_dim3A : f32 to vector<16xf32>
    %dma_wait3A = arith.constant 0 : i32
    %dma_wait3A_30 = arith.constant 0 : i32
    %dma_wait3A_31 = tpu.memref_slice %arg5[%dma_wait3A, %dma_wait3A_30] : memref<32x256xi32, #tpu.memory_space<vmem>> -> memref<16x256xi32, #tpu.memory_space<vmem>>
    %dma_wait3A_32 = arith.constant 0 : i32
    %dma_wait3A_33 = tpu.memref_slice %arg2[%add3A_4, %dma_wait3A_32] : memref<1024x256xi32, #tpu.memory_space<hbm>> -> memref<16x256xi32, #tpu.memory_space<hbm>>
    %dma_wait3A_34 = arith.constant 0 : i32
    %dma_wait3A_35 = arith.constant 0 : i32
    %dma_wait3A_36 = tpu.memref_slice %arg5[%dma_wait3A_34, %dma_wait3A_35] : memref<32x256xi32, #tpu.memory_space<vmem>> -> memref<16x256xi32, #tpu.memory_space<vmem>>
    %dma_wait3A_37 = arith.constant 0 : i32
    %dma_wait3A_38 = tpu.memref_slice %arg2[%add3A_4, %dma_wait3A_37] : memref<1024x256xi32, #tpu.memory_space<hbm>> -> memref<16x256xi32, #tpu.memory_space<hbm>>
    tpu.wait_dma2 semaphore(%arg10 : memref<!tpu.dma_semaphore, #tpu.memory_space<semaphore_mem>>) src(%dma_wait3A_38 : memref<16x256xi32, #tpu.memory_space<hbm>>) dst(%dma_wait3A_36 : memref<16x256xi32, #tpu.memory_space<vmem>>)
    %scan3A = arith.constant 0 : i32
    %scan3A_39 = arith.constant 0 : i32
    %scan3A_40 = arith.constant 16 : i32
    %scan3A_41 = arith.addi %scan3A_39, %scan3A_40 : i32
    %scan3A_42 = arith.constant 1 : i32
    scf.for %scan3A_447 = %scan3A_39 to %scan3A_41 step %scan3A_42  : i32 {
      %add3A_448 = arith.constant 0 : i32
      %add3A_449 = arith.addi %add3A_448, %scan3A_447 : i32
      %get3A = arith.index_cast %add3A_449 : i32 to index
      %get3A_450 = arith.constant 0 : index
      %get3A_451 = tpu.vector_load %arg5[%get3A, %get3A_450] {strides = array<i32>} : memref<32x256xi32, #tpu.memory_space<vmem>>, vector<16xi32>,
      %bitcast3A = vector.bitcast %get3A_451 : vector<16xi32> to vector<32xi16>
      %unpack3A = tpu.unpack_subelements %bitcast3A, 0 {pack_format = #tpu.pack_format<interleaved>} : vector<32xi16> -> vector<16xi32>
      %unpack3A_452 = tpu.unpack_subelements %bitcast3A, 1 {pack_format = #tpu.pack_format<interleaved>} : vector<32xi16> -> vector<16xi32>
      %gather3A_453 = tpu.vector_load_idx %arg6[%unpack3A] : memref<2048xf32, #tpu.memory_space<vmem>>[vector<16xi32>], vector<16xf32>,
      %add3A_454 = arith.addf %broadcast_in_dim3A_29, %gather3A_453 : vector<16xf32>
      %gather3A_455 = tpu.vector_load_idx %arg6[%unpack3A_452] : memref<2048xf32, #tpu.memory_space<vmem>>[vector<16xi32>], vector<16xf32>,
      %add3A_456 = arith.addf %broadcast_in_dim3A_29, %gather3A_455 : vector<16xf32>
      %get3A_457 = arith.index_cast %add3A_449 : i32 to index
      %get3A_458 = arith.constant 16 : index
      %get3A_459 = tpu.vector_load %arg5[%get3A_457, %get3A_458] {strides = array<i32>} : memref<32x256xi32, #tpu.memory_space<vmem>>, vector<16xi32>,
      %bitcast3A_460 = vector.bitcast %get3A_459 : vector<16xi32> to vector<32xi16>
      %unpack3A_461 = tpu.unpack_subelements %bitcast3A_460, 0 {pack_format = #tpu.pack_format<interleaved>} : vector<32xi16> -> vector<16xi32>
      %unpack3A_462 = tpu.unpack_subelements %bitcast3A_460, 1 {pack_format = #tpu.pack_format<interleaved>} : vector<32xi16> -> vector<16xi32>
      %gather3A_463 = tpu.vector_load_idx %arg6[%unpack3A_461] : memref<2048xf32, #tpu.memory_space<vmem>>[vector<16xi32>], vector<16xf32>,
      %add3A_464 = arith.addf %broadcast_in_dim3A_29, %gather3A_463 : vector<16xf32>
      %gather3A_465 = tpu.vector_load_idx %arg6[%unpack3A_462] : memref<2048xf32, #tpu.memory_space<vmem>>[vector<16xi32>], vector<16xf32>,
      %add3A_466 = arith.addf %broadcast_in_dim3A_29, %gather3A_465 : vector<16xf32>
      %get3A_467 = arith.index_cast %add3A_449 : i32 to index
      %get3A_468 = arith.constant 32 : index
      %get3A_469 = tpu.vector_load %arg5[%get3A_467, %get3A_468] {strides = array<i32>} : memref<32x256xi32, #tpu.memory_space<vmem>>, vector<16xi32>,
      %bitcast3A_470 = vector.bitcast %get3A_469 : vector<16xi32> to vector<32xi16>
      %unpack3A_471 = tpu.unpack_subelements %bitcast3A_470, 0 {pack_format = #tpu.pack_format<interleaved>} : vector<32xi16> -> vector<16xi32>
      %unpack3A_472 = tpu.unpack_subelements %bitcast3A_470, 1 {pack_format = #tpu.pack_format<interleaved>} : vector<32xi16> -> vector<16xi32>
      %gather3A_473 = tpu.vector_load_idx %arg6[%unpack3A_471] : memref<2048xf32, #tpu.memory_space<vmem>>[vector<16xi32>], vector<16xf32>,
      %add3A_474 = arith.addf %add3A_454, %gather3A_473 : vector<16xf32>
      %gather3A_475 = tpu.vector_load_idx %arg6[%unpack3A_472] : memref<2048xf32, #tpu.memory_space<vmem>>[vector<16xi32>], vector<16xf32>,
      %add3A_476 = arith.addf %add3A_456, %gather3A_475 : vector<16xf32>
      %get3A_477 = arith.index_cast %add3A_449 : i32 to index
      %get3A_478 = arith.constant 48 : index
      %get3A_479 = tpu.vector_load %arg5[%get3A_477, %get3A_478] {strides = array<i32>} : memref<32x256xi32, #tpu.memory_space<vmem>>, vector<16xi32>,
      %bitcast3A_480 = vector.bitcast %get3A_479 : vector<16xi32> to vector<32xi16>
      %unpack3A_481 = tpu.unpack_subelements %bitcast3A_480, 0 {pack_format = #tpu.pack_format<interleaved>} : vector<32xi16> -> vector<16xi32>
      %unpack3A_482 = tpu.unpack_subelements %bitcast3A_480, 1 {pack_format = #tpu.pack_format<interleaved>} : vector<32xi16> -> vector<16xi32>
      %gather3A_483 = tpu.vector_load_idx %arg6[%unpack3A_481] : memref<2048xf32, #tpu.memory_space<vmem>>[vector<16xi32>], vector<16xf32>,
      %add3A_484 = arith.addf %add3A_464, %gather3A_483 : vector<16xf32>
      %gather3A_485 = tpu.vector_load_idx %arg6[%unpack3A_482] : memref<2048xf32, #tpu.memory_space<vmem>>[vector<16xi32>], vector<16xf32>,
      %add3A_486 = arith.addf %add3A_466, %gather3A_485 : vector<16xf32>
      %get3A_487 = arith.index_cast %add3A_449 : i32 to index
      %get3A_488 = arith.constant 64 : index
      %get3A_489 = tpu.vector_load %arg5[%get3A_487, %get3A_488] {strides = array<i32>} : memref<32x256xi32, #tpu.memory_space<vmem>>, vector<16xi32>,
      %bitcast3A_490 = vector.bitcast %get3A_489 : vector<16xi32> to vector<32xi16>
      %unpack3A_491 = tpu.unpack_subelements %bitcast3A_490, 0 {pack_format = #tpu.pack_format<interleaved>} : vector<32xi16> -> vector<16xi32>
      %unpack3A_492 = tpu.unpack_subelements %bitcast3A_490, 1 {pack_format = #tpu.pack_format<interleaved>} : vector<32xi16> -> vector<16xi32>
      %gather3A_493 = tpu.vector_load_idx %arg6[%unpack3A_491] : memref<2048xf32, #tpu.memory_space<vmem>>[vector<16xi32>], vector<16xf32>,
      %add3A_494 = arith.addf %add3A_474, %gather3A_493 : vector<16xf32>
      %gather3A_495 = tpu.vector_load_idx %arg6[%unpack3A_492] : memref<2048xf32, #tpu.memory_space<vmem>>[vector<16xi32>], vector<16xf32>,
      %add3A_496 = arith.addf %add3A_476, %gather3A_495 : vector<16xf32>
      %get3A_497 = arith.index_cast %add3A_449 : i32 to index
      %get3A_498 = arith.constant 80 : index
      %get3A_499 = tpu.vector_load %arg5[%get3A_497, %get3A_498] {strides = array<i32>} : memref<32x256xi32, #tpu.memory_space<vmem>>, vector<16xi32>,
      %bitcast3A_500 = vector.bitcast %get3A_499 : vector<16xi32> to vector<32xi16>
      %unpack3A_501 = tpu.unpack_subelements %bitcast3A_500, 0 {pack_format = #tpu.pack_format<interleaved>} : vector<32xi16> -> vector<16xi32>
      %unpack3A_502 = tpu.unpack_subelements %bitcast3A_500, 1 {pack_format = #tpu.pack_format<interleaved>} : vector<32xi16> -> vector<16xi32>
      %gather3A_503 = tpu.vector_load_idx %arg6[%unpack3A_501] : memref<2048xf32, #tpu.memory_space<vmem>>[vector<16xi32>], vector<16xf32>,
      %add3A_504 = arith.addf %add3A_484, %gather3A_503 : vector<16xf32>
      %gather3A_505 = tpu.vector_load_idx %arg6[%unpack3A_502] : memref<2048xf32, #tpu.memory_space<vmem>>[vector<16xi32>], vector<16xf32>,
      %add3A_506 = arith.addf %add3A_486, %gather3A_505 : vector<16xf32>
      %get3A_507 = arith.index_cast %add3A_449 : i32 to index
      %get3A_508 = arith.constant 96 : index
      %get3A_509 = tpu.vector_load %arg5[%get3A_507, %get3A_508] {strides = array<i32>} : memref<32x256xi32, #tpu.memory_space<vmem>>, vector<16xi32>,
      %bitcast3A_510 = vector.bitcast %get3A_509 : vector<16xi32> to vector<32xi16>
      %unpack3A_511 = tpu.unpack_subelements %bitcast3A_510, 0 {pack_format = #tpu.pack_format<interleaved>} : vector<32xi16> -> vector<16xi32>
      %unpack3A_512 = tpu.unpack_subelements %bitcast3A_510, 1 {pack_format = #tpu.pack_format<interleaved>} : vector<32xi16> -> vector<16xi32>
      %gather3A_513 = tpu.vector_load_idx %arg6[%unpack3A_511] : memref<2048xf32, #tpu.memory_space<vmem>>[vector<16xi32>], vector<16xf32>,
      %add3A_514 = arith.addf %add3A_494, %gather3A_513 : vector<16xf32>
      %gather3A_515 = tpu.vector_load_idx %arg6[%unpack3A_512] : memref<2048xf32, #tpu.memory_space<vmem>>[vector<16xi32>], vector<16xf32>,
      %add3A_516 = arith.addf %add3A_496, %gather3A_515 : vector<16xf32>
      %get3A_517 = arith.index_cast %add3A_449 : i32 to index
      %get3A_518 = arith.constant 112 : index
      %get3A_519 = tpu.vector_load %arg5[%get3A_517, %get3A_518] {strides = array<i32>} : memref<32x256xi32, #tpu.memory_space<vmem>>, vector<16xi32>,
      %bitcast3A_520 = vector.bitcast %get3A_519 : vector<16xi32> to vector<32xi16>
      %unpack3A_521 = tpu.unpack_subelements %bitcast3A_520, 0 {pack_format = #tpu.pack_format<interleaved>} : vector<32xi16> -> vector<16xi32>
      %unpack3A_522 = tpu.unpack_subelements %bitcast3A_520, 1 {pack_format = #tpu.pack_format<interleaved>} : vector<32xi16> -> vector<16xi32>
      %gather3A_523 = tpu.vector_load_idx %arg6[%unpack3A_521] : memref<2048xf32, #tpu.memory_space<vmem>>[vector<16xi32>], vector<16xf32>,
      %add3A_524 = arith.addf %add3A_504, %gather3A_523 : vector<16xf32>
      %gather3A_525 = tpu.vector_load_idx %arg6[%unpack3A_522] : memref<2048xf32, #tpu.memory_space<vmem>>[vector<16xi32>], vector<16xf32>,
      %add3A_526 = arith.addf %add3A_506, %gather3A_525 : vector<16xf32>
      %get3A_527 = arith.index_cast %add3A_449 : i32 to index
      %get3A_528 = arith.constant 128 : index
      %get3A_529 = tpu.vector_load %arg5[%get3A_527, %get3A_528] {strides = array<i32>} : memref<32x256xi32, #tpu.memory_space<vmem>>, vector<16xi32>,
      %bitcast3A_530 = vector.bitcast %get3A_529 : vector<16xi32> to vector<32xi16>
      %unpack3A_531 = tpu.unpack_subelements %bitcast3A_530, 0 {pack_format = #tpu.pack_format<interleaved>} : vector<32xi16> -> vector<16xi32>
      %unpack3A_532 = tpu.unpack_subelements %bitcast3A_530, 1 {pack_format = #tpu.pack_format<interleaved>} : vector<32xi16> -> vector<16xi32>
      %gather3A_533 = tpu.vector_load_idx %arg6[%unpack3A_531] : memref<2048xf32, #tpu.memory_space<vmem>>[vector<16xi32>], vector<16xf32>,
      %add3A_534 = arith.addf %add3A_514, %gather3A_533 : vector<16xf32>
      %gather3A_535 = tpu.vector_load_idx %arg6[%unpack3A_532] : memref<2048xf32, #tpu.memory_space<vmem>>[vector<16xi32>], vector<16xf32>,
      %add3A_536 = arith.addf %add3A_516, %gather3A_535 : vector<16xf32>
      %get3A_537 = arith.index_cast %add3A_449 : i32 to index
      %get3A_538 = arith.constant 144 : index
      %get3A_539 = tpu.vector_load %arg5[%get3A_537, %get3A_538] {strides = array<i32>} : memref<32x256xi32, #tpu.memory_space<vmem>>, vector<16xi32>,
      %bitcast3A_540 = vector.bitcast %get3A_539 : vector<16xi32> to vector<32xi16>
      %unpack3A_541 = tpu.unpack_subelements %bitcast3A_540, 0 {pack_format = #tpu.pack_format<interleaved>} : vector<32xi16> -> vector<16xi32>
      %unpack3A_542 = tpu.unpack_subelements %bitcast3A_540, 1 {pack_format = #tpu.pack_format<interleaved>} : vector<32xi16> -> vector<16xi32>
      %gather3A_543 = tpu.vector_load_idx %arg6[%unpack3A_541] : memref<2048xf32, #tpu.memory_space<vmem>>[vector<16xi32>], vector<16xf32>,
      %add3A_544 = arith.addf %add3A_524, %gather3A_543 : vector<16xf32>
      %gather3A_545 = tpu.vector_load_idx %arg6[%unpack3A_542] : memref<2048xf32, #tpu.memory_space<vmem>>[vector<16xi32>], vector<16xf32>,
      %add3A_546 = arith.addf %add3A_526, %gather3A_545 : vector<16xf32>
      %get3A_547 = arith.index_cast %add3A_449 : i32 to index
      %get3A_548 = arith.constant 160 : index
      %get3A_549 = tpu.vector_load %arg5[%get3A_547, %get3A_548] {strides = array<i32>} : memref<32x256xi32, #tpu.memory_space<vmem>>, vector<16xi32>,
      %bitcast3A_550 = vector.bitcast %get3A_549 : vector<16xi32> to vector<32xi16>
      %unpack3A_551 = tpu.unpack_subelements %bitcast3A_550, 0 {pack_format = #tpu.pack_format<interleaved>} : vector<32xi16> -> vector<16xi32>
      %unpack3A_552 = tpu.unpack_subelements %bitcast3A_550, 1 {pack_format = #tpu.pack_format<interleaved>} : vector<32xi16> -> vector<16xi32>
      %gather3A_553 = tpu.vector_load_idx %arg6[%unpack3A_551] : memref<2048xf32, #tpu.memory_space<vmem>>[vector<16xi32>], vector<16xf32>,
      %add3A_554 = arith.addf %add3A_534, %gather3A_553 : vector<16xf32>
      %gather3A_555 = tpu.vector_load_idx %arg6[%unpack3A_552] : memref<2048xf32, #tpu.memory_space<vmem>>[vector<16xi32>], vector<16xf32>,
      %add3A_556 = arith.addf %add3A_536, %gather3A_555 : vector<16xf32>
      %get3A_557 = arith.index_cast %add3A_449 : i32 to index
      %get3A_558 = arith.constant 176 : index
      %get3A_559 = tpu.vector_load %arg5[%get3A_557, %get3A_558] {strides = array<i32>} : memref<32x256xi32, #tpu.memory_space<vmem>>, vector<16xi32>,
      %bitcast3A_560 = vector.bitcast %get3A_559 : vector<16xi32> to vector<32xi16>
      %unpack3A_561 = tpu.unpack_subelements %bitcast3A_560, 0 {pack_format = #tpu.pack_format<interleaved>} : vector<32xi16> -> vector<16xi32>
      %unpack3A_562 = tpu.unpack_subelements %bitcast3A_560, 1 {pack_format = #tpu.pack_format<interleaved>} : vector<32xi16> -> vector<16xi32>
      %gather3A_563 = tpu.vector_load_idx %arg6[%unpack3A_561] : memref<2048xf32, #tpu.memory_space<vmem>>[vector<16xi32>], vector<16xf32>,
      %add3A_564 = arith.addf %add3A_544, %gather3A_563 : vector<16xf32>
      %gather3A_565 = tpu.vector_load_idx %arg6[%unpack3A_562] : memref<2048xf32, #tpu.memory_space<vmem>>[vector<16xi32>], vector<16xf32>,
      %add3A_566 = arith.addf %add3A_546, %gather3A_565 : vector<16xf32>
      %get3A_567 = arith.index_cast %add3A_449 : i32 to index
      %get3A_568 = arith.constant 192 : index
      %get3A_569 = tpu.vector_load %arg5[%get3A_567, %get3A_568] {strides = array<i32>} : memref<32x256xi32, #tpu.memory_space<vmem>>, vector<16xi32>,
      %bitcast3A_570 = vector.bitcast %get3A_569 : vector<16xi32> to vector<32xi16>
      %unpack3A_571 = tpu.unpack_subelements %bitcast3A_570, 0 {pack_format = #tpu.pack_format<interleaved>} : vector<32xi16> -> vector<16xi32>
      %unpack3A_572 = tpu.unpack_subelements %bitcast3A_570, 1 {pack_format = #tpu.pack_format<interleaved>} : vector<32xi16> -> vector<16xi32>
      %gather3A_573 = tpu.vector_load_idx %arg6[%unpack3A_571] : memref<2048xf32, #tpu.memory_space<vmem>>[vector<16xi32>], vector<16xf32>,
      %add3A_574 = arith.addf %add3A_554, %gather3A_573 : vector<16xf32>
      %gather3A_575 = tpu.vector_load_idx %arg6[%unpack3A_572] : memref<2048xf32, #tpu.memory_space<vmem>>[vector<16xi32>], vector<16xf32>,
      %add3A_576 = arith.addf %add3A_556, %gather3A_575 : vector<16xf32>
      %get3A_577 = arith.index_cast %add3A_449 : i32 to index
      %get3A_578 = arith.constant 208 : index
      %get3A_579 = tpu.vector_load %arg5[%get3A_577, %get3A_578] {strides = array<i32>} : memref<32x256xi32, #tpu.memory_space<vmem>>, vector<16xi32>,
      %bitcast3A_580 = vector.bitcast %get3A_579 : vector<16xi32> to vector<32xi16>
      %unpack3A_581 = tpu.unpack_subelements %bitcast3A_580, 0 {pack_format = #tpu.pack_format<interleaved>} : vector<32xi16> -> vector<16xi32>
      %unpack3A_582 = tpu.unpack_subelements %bitcast3A_580, 1 {pack_format = #tpu.pack_format<interleaved>} : vector<32xi16> -> vector<16xi32>
      %gather3A_583 = tpu.vector_load_idx %arg6[%unpack3A_581] : memref<2048xf32, #tpu.memory_space<vmem>>[vector<16xi32>], vector<16xf32>,
      %add3A_584 = arith.addf %add3A_564, %gather3A_583 : vector<16xf32>
      %gather3A_585 = tpu.vector_load_idx %arg6[%unpack3A_582] : memref<2048xf32, #tpu.memory_space<vmem>>[vector<16xi32>], vector<16xf32>,
      %add3A_586 = arith.addf %add3A_566, %gather3A_585 : vector<16xf32>
      %get3A_587 = arith.index_cast %add3A_449 : i32 to index
      %get3A_588 = arith.constant 224 : index
      %get3A_589 = tpu.vector_load %arg5[%get3A_587, %get3A_588] {strides = array<i32>} : memref<32x256xi32, #tpu.memory_space<vmem>>, vector<16xi32>,
      %bitcast3A_590 = vector.bitcast %get3A_589 : vector<16xi32> to vector<32xi16>
      %unpack3A_591 = tpu.unpack_subelements %bitcast3A_590, 0 {pack_format = #tpu.pack_format<interleaved>} : vector<32xi16> -> vector<16xi32>
      %unpack3A_592 = tpu.unpack_subelements %bitcast3A_590, 1 {pack_format = #tpu.pack_format<interleaved>} : vector<32xi16> -> vector<16xi32>
      %gather3A_593 = tpu.vector_load_idx %arg6[%unpack3A_591] : memref<2048xf32, #tpu.memory_space<vmem>>[vector<16xi32>], vector<16xf32>,
      %add3A_594 = arith.addf %add3A_574, %gather3A_593 : vector<16xf32>
      %gather3A_595 = tpu.vector_load_idx %arg6[%unpack3A_592] : memref<2048xf32, #tpu.memory_space<vmem>>[vector<16xi32>], vector<16xf32>,
      %add3A_596 = arith.addf %add3A_576, %gather3A_595 : vector<16xf32>
      %get3A_597 = arith.index_cast %add3A_449 : i32 to index
      %get3A_598 = arith.constant 240 : index
      %get3A_599 = tpu.vector_load %arg5[%get3A_597, %get3A_598] {strides = array<i32>} : memref<32x256xi32, #tpu.memory_space<vmem>>, vector<16xi32>,
      %bitcast3A_600 = vector.bitcast %get3A_599 : vector<16xi32> to vector<32xi16>
      %unpack3A_601 = tpu.unpack_subelements %bitcast3A_600, 0 {pack_format = #tpu.pack_format<interleaved>} : vector<32xi16> -> vector<16xi32>
      %unpack3A_602 = tpu.unpack_subelements %bitcast3A_600, 1 {pack_format = #tpu.pack_format<interleaved>} : vector<32xi16> -> vector<16xi32>
      %gather3A_603 = tpu.vector_load_idx %arg6[%unpack3A_601] : memref<2048xf32, #tpu.memory_space<vmem>>[vector<16xi32>], vector<16xf32>,
      %add3A_604 = arith.addf %add3A_584, %gather3A_603 : vector<16xf32>
      %gather3A_605 = tpu.vector_load_idx %arg6[%unpack3A_602] : memref<2048xf32, #tpu.memory_space<vmem>>[vector<16xi32>], vector<16xf32>,
      %add3A_606 = arith.addf %add3A_586, %gather3A_605 : vector<16xf32>
      %add3A_607 = arith.addf %add3A_594, %add3A_596 : vector<16xf32>
      %add3A_608 = arith.addf %add3A_604, %add3A_606 : vector<16xf32>
      %add3A_609 = arith.addf %add3A_607, %add3A_608 : vector<16xf32>
      %mul3A_610 = arith.constant 16 : i32
      %mul3A_611 = arith.muli %add3A_449, %mul3A_610 : i32
      %add3A_612 = vector.broadcast %add3A_449 : i32 to vector<16xi32>
      %add3A_613 = arith.addi %iota3A, %add3A_612 : vector<16xi32>
      %and3A_614 = arith.constant 15 : i32
      %and3A_615 = vector.broadcast %and3A_614 : i32 to vector<16xi32>
      %and3A_616 = arith.andi %add3A_613, %and3A_615 : vector<16xi32>
      %add3A_617 = vector.broadcast %mul3A_611 : i32 to vector<16xi32>
      %add3A_618 = arith.addi %add3A_617, %and3A_616 : vector<16xi32>
      tpu.vector_store_idx %arg7[%add3A_618], %add3A_609 : memref<512xf32, #tpu.memory_space<vmem>>[vector<16xi32>], vector<16xf32>,
    }
    %scan3A_43 = arith.constant 16 : i32
    %add3A_44 = arith.constant 0 : i32
    %add3A_45 = vector.broadcast %add3A_44 : i32 to vector<16xi32>
    %add3A_46 = arith.addi %iota3A, %add3A_45 : vector<16xi32>
    %and3A = arith.constant 15 : i32
    %and3A_47 = vector.broadcast %and3A : i32 to vector<16xi32>
    %and3A_48 = arith.andi %add3A_46, %and3A_47 : vector<16xi32>
    %add3A_49 = arith.addi %mul3A_28, %and3A_48 : vector<16xi32>
    %add3A_50 = arith.constant 0 : i32
    %add3A_51 = vector.broadcast %add3A_50 : i32 to vector<16xi32>
    %add3A_52 = arith.addi %add3A_49, %add3A_51 : vector<16xi32>
    %gather3A = tpu.vector_load_idx %arg7[%add3A_52] : memref<512xf32, #tpu.memory_space<vmem>>[vector<16xi32>], vector<16xf32>,
    %add3A_53 = arith.addf %broadcast_in_dim3A_29, %gather3A : vector<16xf32>
    %add3A_54 = arith.constant 1 : i32
    %add3A_55 = vector.broadcast %add3A_54 : i32 to vector<16xi32>
    %add3A_56 = arith.addi %iota3A, %add3A_55 : vector<16xi32>
    %and3A_57 = arith.constant 15 : i32
    %and3A_58 = vector.broadcast %and3A_57 : i32 to vector<16xi32>
    %and3A_59 = arith.andi %add3A_56, %and3A_58 : vector<16xi32>
    %add3A_60 = arith.addi %mul3A_28, %and3A_59 : vector<16xi32>
    %add3A_61 = arith.constant 0 : i32
    %add3A_62 = vector.broadcast %add3A_61 : i32 to vector<16xi32>
    %add3A_63 = arith.addi %add3A_60, %add3A_62 : vector<16xi32>
    %gather3A_64 = tpu.vector_load_idx %arg7[%add3A_63] : memref<512xf32, #tpu.memory_space<vmem>>[vector<16xi32>], vector<16xf32>,
    %add3A_65 = arith.addf %add3A_53, %gather3A_64 : vector<16xf32>
    %add3A_66 = arith.constant 2 : i32
    %add3A_67 = vector.broadcast %add3A_66 : i32 to vector<16xi32>
    %add3A_68 = arith.addi %iota3A, %add3A_67 : vector<16xi32>
    %and3A_69 = arith.constant 15 : i32
    %and3A_70 = vector.broadcast %and3A_69 : i32 to vector<16xi32>
    %and3A_71 = arith.andi %add3A_68, %and3A_70 : vector<16xi32>
    %add3A_72 = arith.addi %mul3A_28, %and3A_71 : vector<16xi32>
    %add3A_73 = arith.constant 0 : i32
    %add3A_74 = vector.broadcast %add3A_73 : i32 to vector<16xi32>
    %add3A_75 = arith.addi %add3A_72, %add3A_74 : vector<16xi32>
    %gather3A_76 = tpu.vector_load_idx %arg7[%add3A_75] : memref<512xf32, #tpu.memory_space<vmem>>[vector<16xi32>], vector<16xf32>,
    %add3A_77 = arith.addf %add3A_65, %gather3A_76 : vector<16xf32>
    %add3A_78 = arith.constant 3 : i32
    %add3A_79 = vector.broadcast %add3A_78 : i32 to vector<16xi32>
    %add3A_80 = arith.addi %iota3A, %add3A_79 : vector<16xi32>
    %and3A_81 = arith.constant 15 : i32
    %and3A_82 = vector.broadcast %and3A_81 : i32 to vector<16xi32>
    %and3A_83 = arith.andi %add3A_80, %and3A_82 : vector<16xi32>
    %add3A_84 = arith.addi %mul3A_28, %and3A_83 : vector<16xi32>
    %add3A_85 = arith.constant 0 : i32
    %add3A_86 = vector.broadcast %add3A_85 : i32 to vector<16xi32>
    %add3A_87 = arith.addi %add3A_84, %add3A_86 : vector<16xi32>
    %gather3A_88 = tpu.vector_load_idx %arg7[%add3A_87] : memref<512xf32, #tpu.memory_space<vmem>>[vector<16xi32>], vector<16xf32>,
    %add3A_89 = arith.addf %add3A_77, %gather3A_88 : vector<16xf32>
    %add3A_90 = arith.constant 4 : i32
    %add3A_91 = vector.broadcast %add3A_90 : i32 to vector<16xi32>
    %add3A_92 = arith.addi %iota3A, %add3A_91 : vector<16xi32>
    %and3A_93 = arith.constant 15 : i32
    %and3A_94 = vector.broadcast %and3A_93 : i32 to vector<16xi32>
    %and3A_95 = arith.andi %add3A_92, %and3A_94 : vector<16xi32>
    %add3A_96 = arith.addi %mul3A_28, %and3A_95 : vector<16xi32>
    %add3A_97 = arith.constant 0 : i32
    %add3A_98 = vector.broadcast %add3A_97 : i32 to vector<16xi32>
    %add3A_99 = arith.addi %add3A_96, %add3A_98 : vector<16xi32>
    %gather3A_100 = tpu.vector_load_idx %arg7[%add3A_99] : memref<512xf32, #tpu.memory_space<vmem>>[vector<16xi32>], vector<16xf32>,
    %add3A_101 = arith.addf %add3A_89, %gather3A_100 : vector<16xf32>
    %add3A_102 = arith.constant 5 : i32
    %add3A_103 = vector.broadcast %add3A_102 : i32 to vector<16xi32>
    %add3A_104 = arith.addi %iota3A, %add3A_103 : vector<16xi32>
    %and3A_105 = arith.constant 15 : i32
    %and3A_106 = vector.broadcast %and3A_105 : i32 to vector<16xi32>
    %and3A_107 = arith.andi %add3A_104, %and3A_106 : vector<16xi32>
    %add3A_108 = arith.addi %mul3A_28, %and3A_107 : vector<16xi32>
    %add3A_109 = arith.constant 0 : i32
    %add3A_110 = vector.broadcast %add3A_109 : i32 to vector<16xi32>
    %add3A_111 = arith.addi %add3A_108, %add3A_110 : vector<16xi32>
    %gather3A_112 = tpu.vector_load_idx %arg7[%add3A_111] : memref<512xf32, #tpu.memory_space<vmem>>[vector<16xi32>], vector<16xf32>,
    %add3A_113 = arith.addf %add3A_101, %gather3A_112 : vector<16xf32>
    %add3A_114 = arith.constant 6 : i32
    %add3A_115 = vector.broadcast %add3A_114 : i32 to vector<16xi32>
    %add3A_116 = arith.addi %iota3A, %add3A_115 : vector<16xi32>
    %and3A_117 = arith.constant 15 : i32
    %and3A_118 = vector.broadcast %and3A_117 : i32 to vector<16xi32>
    %and3A_119 = arith.andi %add3A_116, %and3A_118 : vector<16xi32>
    %add3A_120 = arith.addi %mul3A_28, %and3A_119 : vector<16xi32>
    %add3A_121 = arith.constant 0 : i32
    %add3A_122 = vector.broadcast %add3A_121 : i32 to vector<16xi32>
    %add3A_123 = arith.addi %add3A_120, %add3A_122 : vector<16xi32>
    %gather3A_124 = tpu.vector_load_idx %arg7[%add3A_123] : memref<512xf32, #tpu.memory_space<vmem>>[vector<16xi32>], vector<16xf32>,
    %add3A_125 = arith.addf %add3A_113, %gather3A_124 : vector<16xf32>
    %add3A_126 = arith.constant 7 : i32
    %add3A_127 = vector.broadcast %add3A_126 : i32 to vector<16xi32>
    %add3A_128 = arith.addi %iota3A, %add3A_127 : vector<16xi32>
    %and3A_129 = arith.constant 15 : i32
    %and3A_130 = vector.broadcast %and3A_129 : i32 to vector<16xi32>
    %and3A_131 = arith.andi %add3A_128, %and3A_130 : vector<16xi32>
    %add3A_132 = arith.addi %mul3A_28, %and3A_131 : vector<16xi32>
    %add3A_133 = arith.constant 0 : i32
    %add3A_134 = vector.broadcast %add3A_133 : i32 to vector<16xi32>
    %add3A_135 = arith.addi %add3A_132, %add3A_134 : vector<16xi32>
    %gather3A_136 = tpu.vector_load_idx %arg7[%add3A_135] : memref<512xf32, #tpu.memory_space<vmem>>[vector<16xi32>], vector<16xf32>,
    %add3A_137 = arith.addf %add3A_125, %gather3A_136 : vector<16xf32>
    %add3A_138 = arith.constant 8 : i32
    %add3A_139 = vector.broadcast %add3A_138 : i32 to vector<16xi32>
    %add3A_140 = arith.addi %iota3A, %add3A_139 : vector<16xi32>
    %and3A_141 = arith.constant 15 : i32
    %and3A_142 = vector.broadcast %and3A_141 : i32 to vector<16xi32>
    %and3A_143 = arith.andi %add3A_140, %and3A_142 : vector<16xi32>
    %add3A_144 = arith.addi %mul3A_28, %and3A_143 : vector<16xi32>
    %add3A_145 = arith.constant 0 : i32
    %add3A_146 = vector.broadcast %add3A_145 : i32 to vector<16xi32>
    %add3A_147 = arith.addi %add3A_144, %add3A_146 : vector<16xi32>
    %gather3A_148 = tpu.vector_load_idx %arg7[%add3A_147] : memref<512xf32, #tpu.memory_space<vmem>>[vector<16xi32>], vector<16xf32>,
    %add3A_149 = arith.addf %add3A_137, %gather3A_148 : vector<16xf32>
    %add3A_150 = arith.constant 9 : i32
    %add3A_151 = vector.broadcast %add3A_150 : i32 to vector<16xi32>
    %add3A_152 = arith.addi %iota3A, %add3A_151 : vector<16xi32>
    %and3A_153 = arith.constant 15 : i32
    %and3A_154 = vector.broadcast %and3A_153 : i32 to vector<16xi32>
    %and3A_155 = arith.andi %add3A_152, %and3A_154 : vector<16xi32>
    %add3A_156 = arith.addi %mul3A_28, %and3A_155 : vector<16xi32>
    %add3A_157 = arith.constant 0 : i32
    %add3A_158 = vector.broadcast %add3A_157 : i32 to vector<16xi32>
    %add3A_159 = arith.addi %add3A_156, %add3A_158 : vector<16xi32>
    %gather3A_160 = tpu.vector_load_idx %arg7[%add3A_159] : memref<512xf32, #tpu.memory_space<vmem>>[vector<16xi32>], vector<16xf32>,
    %add3A_161 = arith.addf %add3A_149, %gather3A_160 : vector<16xf32>
    %add3A_162 = arith.constant 10 : i32
    %add3A_163 = vector.broadcast %add3A_162 : i32 to vector<16xi32>
    %add3A_164 = arith.addi %iota3A, %add3A_163 : vector<16xi32>
    %and3A_165 = arith.constant 15 : i32
    %and3A_166 = vector.broadcast %and3A_165 : i32 to vector<16xi32>
    %and3A_167 = arith.andi %add3A_164, %and3A_166 : vector<16xi32>
    %add3A_168 = arith.addi %mul3A_28, %and3A_167 : vector<16xi32>
    %add3A_169 = arith.constant 0 : i32
    %add3A_170 = vector.broadcast %add3A_169 : i32 to vector<16xi32>
    %add3A_171 = arith.addi %add3A_168, %add3A_170 : vector<16xi32>
    %gather3A_172 = tpu.vector_load_idx %arg7[%add3A_171] : memref<512xf32, #tpu.memory_space<vmem>>[vector<16xi32>], vector<16xf32>,
    %add3A_173 = arith.addf %add3A_161, %gather3A_172 : vector<16xf32>
    %add3A_174 = arith.constant 11 : i32
    %add3A_175 = vector.broadcast %add3A_174 : i32 to vector<16xi32>
    %add3A_176 = arith.addi %iota3A, %add3A_175 : vector<16xi32>
    %and3A_177 = arith.constant 15 : i32
    %and3A_178 = vector.broadcast %and3A_177 : i32 to vector<16xi32>
    %and3A_179 = arith.andi %add3A_176, %and3A_178 : vector<16xi32>
    %add3A_180 = arith.addi %mul3A_28, %and3A_179 : vector<16xi32>
    %add3A_181 = arith.constant 0 : i32
    %add3A_182 = vector.broadcast %add3A_181 : i32 to vector<16xi32>
    %add3A_183 = arith.addi %add3A_180, %add3A_182 : vector<16xi32>
    %gather3A_184 = tpu.vector_load_idx %arg7[%add3A_183] : memref<512xf32, #tpu.memory_space<vmem>>[vector<16xi32>], vector<16xf32>,
    %add3A_185 = arith.addf %add3A_173, %gather3A_184 : vector<16xf32>
    %add3A_186 = arith.constant 12 : i32
    %add3A_187 = vector.broadcast %add3A_186 : i32 to vector<16xi32>
    %add3A_188 = arith.addi %iota3A, %add3A_187 : vector<16xi32>
    %and3A_189 = arith.constant 15 : i32
    %and3A_190 = vector.broadcast %and3A_189 : i32 to vector<16xi32>
    %and3A_191 = arith.andi %add3A_188, %and3A_190 : vector<16xi32>
    %add3A_192 = arith.addi %mul3A_28, %and3A_191 : vector<16xi32>
    %add3A_193 = arith.constant 0 : i32
    %add3A_194 = vector.broadcast %add3A_193 : i32 to vector<16xi32>
    %add3A_195 = arith.addi %add3A_192, %add3A_194 : vector<16xi32>
    %gather3A_196 = tpu.vector_load_idx %arg7[%add3A_195] : memref<512xf32, #tpu.memory_space<vmem>>[vector<16xi32>], vector<16xf32>,
    %add3A_197 = arith.addf %add3A_185, %gather3A_196 : vector<16xf32>
    %add3A_198 = arith.constant 13 : i32
    %add3A_199 = vector.broadcast %add3A_198 : i32 to vector<16xi32>
    %add3A_200 = arith.addi %iota3A, %add3A_199 : vector<16xi32>
    %and3A_201 = arith.constant 15 : i32
    %and3A_202 = vector.broadcast %and3A_201 : i32 to vector<16xi32>
    %and3A_203 = arith.andi %add3A_200, %and3A_202 : vector<16xi32>
    %add3A_204 = arith.addi %mul3A_28, %and3A_203 : vector<16xi32>
    %add3A_205 = arith.constant 0 : i32
    %add3A_206 = vector.broadcast %add3A_205 : i32 to vector<16xi32>
    %add3A_207 = arith.addi %add3A_204, %add3A_206 : vector<16xi32>
    %gather3A_208 = tpu.vector_load_idx %arg7[%add3A_207] : memref<512xf32, #tpu.memory_space<vmem>>[vector<16xi32>], vector<16xf32>,
    %add3A_209 = arith.addf %add3A_197, %gather3A_208 : vector<16xf32>
    %add3A_210 = arith.constant 14 : i32
    %add3A_211 = vector.broadcast %add3A_210 : i32 to vector<16xi32>
    %add3A_212 = arith.addi %iota3A, %add3A_211 : vector<16xi32>
    %and3A_213 = arith.constant 15 : i32
    %and3A_214 = vector.broadcast %and3A_213 : i32 to vector<16xi32>
    %and3A_215 = arith.andi %add3A_212, %and3A_214 : vector<16xi32>
    %add3A_216 = arith.addi %mul3A_28, %and3A_215 : vector<16xi32>
    %add3A_217 = arith.constant 0 : i32
    %add3A_218 = vector.broadcast %add3A_217 : i32 to vector<16xi32>
    %add3A_219 = arith.addi %add3A_216, %add3A_218 : vector<16xi32>
    %gather3A_220 = tpu.vector_load_idx %arg7[%add3A_219] : memref<512xf32, #tpu.memory_space<vmem>>[vector<16xi32>], vector<16xf32>,
    %add3A_221 = arith.addf %add3A_209, %gather3A_220 : vector<16xf32>
    %add3A_222 = arith.constant 15 : i32
    %add3A_223 = vector.broadcast %add3A_222 : i32 to vector<16xi32>
    %add3A_224 = arith.addi %iota3A, %add3A_223 : vector<16xi32>
    %and3A_225 = arith.constant 15 : i32
    %and3A_226 = vector.broadcast %and3A_225 : i32 to vector<16xi32>
    %and3A_227 = arith.andi %add3A_224, %and3A_226 : vector<16xi32>
    %add3A_228 = arith.addi %mul3A_28, %and3A_227 : vector<16xi32>
    %add3A_229 = arith.constant 0 : i32
    %add3A_230 = vector.broadcast %add3A_229 : i32 to vector<16xi32>
    %add3A_231 = arith.addi %add3A_228, %add3A_230 : vector<16xi32>
    %gather3A_232 = tpu.vector_load_idx %arg7[%add3A_231] : memref<512xf32, #tpu.memory_space<vmem>>[vector<16xi32>], vector<16xf32>,
    %add3A_233 = arith.addf %add3A_221, %gather3A_232 : vector<16xf32>
    %swap3A = arith.constant 0 : index
    %swap3A_234 = tpu.vector_load %arg8[%swap3A] {strides = array<i32>} : memref<32xf32, #tpu.memory_space<vmem>>, vector<16xf32>,
    tpu.vector_store %arg8[%swap3A], %add3A_233 {strides = array<i32>} : memref<32xf32, #tpu.memory_space<vmem>>, vector<16xf32>,
    %dma_wait3A_235 = arith.constant 16 : i32
    %dma_wait3A_236 = arith.constant 0 : i32
    %dma_wait3A_237 = tpu.memref_slice %arg5[%dma_wait3A_235, %dma_wait3A_236] : memref<32x256xi32, #tpu.memory_space<vmem>> -> memref<16x256xi32, #tpu.memory_space<vmem>>
    %dma_wait3A_238 = arith.constant 0 : i32
    %dma_wait3A_239 = tpu.memref_slice %arg2[%add3A_15, %dma_wait3A_238] : memref<1024x256xi32, #tpu.memory_space<hbm>> -> memref<16x256xi32, #tpu.memory_space<hbm>>
    %dma_wait3A_240 = arith.constant 16 : i32
    %dma_wait3A_241 = arith.constant 0 : i32
    %dma_wait3A_242 = tpu.memref_slice %arg5[%dma_wait3A_240, %dma_wait3A_241] : memref<32x256xi32, #tpu.memory_space<vmem>> -> memref<16x256xi32, #tpu.memory_space<vmem>>
    %dma_wait3A_243 = arith.constant 0 : i32
    %dma_wait3A_244 = tpu.memref_slice %arg2[%add3A_15, %dma_wait3A_243] : memref<1024x256xi32, #tpu.memory_space<hbm>> -> memref<16x256xi32, #tpu.memory_space<hbm>>
    tpu.wait_dma2 semaphore(%arg11 : memref<!tpu.dma_semaphore, #tpu.memory_space<semaphore_mem>>) src(%dma_wait3A_244 : memref<16x256xi32, #tpu.memory_space<hbm>>) dst(%dma_wait3A_242 : memref<16x256xi32, #tpu.memory_space<vmem>>)
    %scan3A_245 = arith.constant 0 : i32
    %scan3A_246 = arith.constant 0 : i32
    %scan3A_247 = arith.constant 16 : i32
    %scan3A_248 = arith.addi %scan3A_246, %scan3A_247 : i32
    %scan3A_249 = arith.constant 1 : i32
    scf.for %scan3A_447 = %scan3A_246 to %scan3A_248 step %scan3A_249  : i32 {
      %add3A_448 = arith.constant 16 : i32
      %add3A_449 = arith.addi %add3A_448, %scan3A_447 : i32
      %get3A = arith.index_cast %add3A_449 : i32 to index
      %get3A_450 = arith.constant 0 : index
      %get3A_451 = tpu.vector_load %arg5[%get3A, %get3A_450] {strides = array<i32>} : memref<32x256xi32, #tpu.memory_space<vmem>>, vector<16xi32>,
      %bitcast3A = vector.bitcast %get3A_451 : vector<16xi32> to vector<32xi16>
      %unpack3A = tpu.unpack_subelements %bitcast3A, 0 {pack_format = #tpu.pack_format<interleaved>} : vector<32xi16> -> vector<16xi32>
      %unpack3A_452 = tpu.unpack_subelements %bitcast3A, 1 {pack_format = #tpu.pack_format<interleaved>} : vector<32xi16> -> vector<16xi32>
      %gather3A_453 = tpu.vector_load_idx %arg6[%unpack3A] : memref<2048xf32, #tpu.memory_space<vmem>>[vector<16xi32>], vector<16xf32>,
      %add3A_454 = arith.addf %broadcast_in_dim3A_29, %gather3A_453 : vector<16xf32>
      %gather3A_455 = tpu.vector_load_idx %arg6[%unpack3A_452] : memref<2048xf32, #tpu.memory_space<vmem>>[vector<16xi32>], vector<16xf32>,
      %add3A_456 = arith.addf %broadcast_in_dim3A_29, %gather3A_455 : vector<16xf32>
      %get3A_457 = arith.index_cast %add3A_449 : i32 to index
      %get3A_458 = arith.constant 16 : index
      %get3A_459 = tpu.vector_load %arg5[%get3A_457, %get3A_458] {strides = array<i32>} : memref<32x256xi32, #tpu.memory_space<vmem>>, vector<16xi32>,
      %bitcast3A_460 = vector.bitcast %get3A_459 : vector<16xi32> to vector<32xi16>
      %unpack3A_461 = tpu.unpack_subelements %bitcast3A_460, 0 {pack_format = #tpu.pack_format<interleaved>} : vector<32xi16> -> vector<16xi32>
      %unpack3A_462 = tpu.unpack_subelements %bitcast3A_460, 1 {pack_format = #tpu.pack_format<interleaved>} : vector<32xi16> -> vector<16xi32>
      %gather3A_463 = tpu.vector_load_idx %arg6[%unpack3A_461] : memref<2048xf32, #tpu.memory_space<vmem>>[vector<16xi32>], vector<16xf32>,
      %add3A_464 = arith.addf %broadcast_in_dim3A_29, %gather3A_463 : vector<16xf32>
      %gather3A_465 = tpu.vector_load_idx %arg6[%unpack3A_462] : memref<2048xf32, #tpu.memory_space<vmem>>[vector<16xi32>], vector<16xf32>,
      %add3A_466 = arith.addf %broadcast_in_dim3A_29, %gather3A_465 : vector<16xf32>
      %get3A_467 = arith.index_cast %add3A_449 : i32 to index
      %get3A_468 = arith.constant 32 : index
      %get3A_469 = tpu.vector_load %arg5[%get3A_467, %get3A_468] {strides = array<i32>} : memref<32x256xi32, #tpu.memory_space<vmem>>, vector<16xi32>,
      %bitcast3A_470 = vector.bitcast %get3A_469 : vector<16xi32> to vector<32xi16>
      %unpack3A_471 = tpu.unpack_subelements %bitcast3A_470, 0 {pack_format = #tpu.pack_format<interleaved>} : vector<32xi16> -> vector<16xi32>
      %unpack3A_472 = tpu.unpack_subelements %bitcast3A_470, 1 {pack_format = #tpu.pack_format<interleaved>} : vector<32xi16> -> vector<16xi32>
      %gather3A_473 = tpu.vector_load_idx %arg6[%unpack3A_471] : memref<2048xf32, #tpu.memory_space<vmem>>[vector<16xi32>], vector<16xf32>,
      %add3A_474 = arith.addf %add3A_454, %gather3A_473 : vector<16xf32>
      %gather3A_475 = tpu.vector_load_idx %arg6[%unpack3A_472] : memref<2048xf32, #tpu.memory_space<vmem>>[vector<16xi32>], vector<16xf32>,
      %add3A_476 = arith.addf %add3A_456, %gather3A_475 : vector<16xf32>
      %get3A_477 = arith.index_cast %add3A_449 : i32 to index
      %get3A_478 = arith.constant 48 : index
      %get3A_479 = tpu.vector_load %arg5[%get3A_477, %get3A_478] {strides = array<i32>} : memref<32x256xi32, #tpu.memory_space<vmem>>, vector<16xi32>,
      %bitcast3A_480 = vector.bitcast %get3A_479 : vector<16xi32> to vector<32xi16>
      %unpack3A_481 = tpu.unpack_subelements %bitcast3A_480, 0 {pack_format = #tpu.pack_format<interleaved>} : vector<32xi16> -> vector<16xi32>
      %unpack3A_482 = tpu.unpack_subelements %bitcast3A_480, 1 {pack_format = #tpu.pack_format<interleaved>} : vector<32xi16> -> vector<16xi32>
      %gather3A_483 = tpu.vector_load_idx %arg6[%unpack3A_481] : memref<2048xf32, #tpu.memory_space<vmem>>[vector<16xi32>], vector<16xf32>,
      %add3A_484 = arith.addf %add3A_464, %gather3A_483 : vector<16xf32>
      %gather3A_485 = tpu.vector_load_idx %arg6[%unpack3A_482] : memref<2048xf32, #tpu.memory_space<vmem>>[vector<16xi32>], vector<16xf32>,
      %add3A_486 = arith.addf %add3A_466, %gather3A_485 : vector<16xf32>
      %get3A_487 = arith.index_cast %add3A_449 : i32 to index
      %get3A_488 = arith.constant 64 : index
      %get3A_489 = tpu.vector_load %arg5[%get3A_487, %get3A_488] {strides = array<i32>} : memref<32x256xi32, #tpu.memory_space<vmem>>, vector<16xi32>,
      %bitcast3A_490 = vector.bitcast %get3A_489 : vector<16xi32> to vector<32xi16>
      %unpack3A_491 = tpu.unpack_subelements %bitcast3A_490, 0 {pack_format = #tpu.pack_format<interleaved>} : vector<32xi16> -> vector<16xi32>
      %unpack3A_492 = tpu.unpack_subelements %bitcast3A_490, 1 {pack_format = #tpu.pack_format<interleaved>} : vector<32xi16> -> vector<16xi32>
      %gather3A_493 = tpu.vector_load_idx %arg6[%unpack3A_491] : memref<2048xf32, #tpu.memory_space<vmem>>[vector<16xi32>], vector<16xf32>,
      %add3A_494 = arith.addf %add3A_474, %gather3A_493 : vector<16xf32>
      %gather3A_495 = tpu.vector_load_idx %arg6[%unpack3A_492] : memref<2048xf32, #tpu.memory_space<vmem>>[vector<16xi32>], vector<16xf32>,
      %add3A_496 = arith.addf %add3A_476, %gather3A_495 : vector<16xf32>
      %get3A_497 = arith.index_cast %add3A_449 : i32 to index
      %get3A_498 = arith.constant 80 : index
      %get3A_499 = tpu.vector_load %arg5[%get3A_497, %get3A_498] {strides = array<i32>} : memref<32x256xi32, #tpu.memory_space<vmem>>, vector<16xi32>,
      %bitcast3A_500 = vector.bitcast %get3A_499 : vector<16xi32> to vector<32xi16>
      %unpack3A_501 = tpu.unpack_subelements %bitcast3A_500, 0 {pack_format = #tpu.pack_format<interleaved>} : vector<32xi16> -> vector<16xi32>
      %unpack3A_502 = tpu.unpack_subelements %bitcast3A_500, 1 {pack_format = #tpu.pack_format<interleaved>} : vector<32xi16> -> vector<16xi32>
      %gather3A_503 = tpu.vector_load_idx %arg6[%unpack3A_501] : memref<2048xf32, #tpu.memory_space<vmem>>[vector<16xi32>], vector<16xf32>,
      %add3A_504 = arith.addf %add3A_484, %gather3A_503 : vector<16xf32>
      %gather3A_505 = tpu.vector_load_idx %arg6[%unpack3A_502] : memref<2048xf32, #tpu.memory_space<vmem>>[vector<16xi32>], vector<16xf32>,
      %add3A_506 = arith.addf %add3A_486, %gather3A_505 : vector<16xf32>
      %get3A_507 = arith.index_cast %add3A_449 : i32 to index
      %get3A_508 = arith.constant 96 : index
      %get3A_509 = tpu.vector_load %arg5[%get3A_507, %get3A_508] {strides = array<i32>} : memref<32x256xi32, #tpu.memory_space<vmem>>, vector<16xi32>,
      %bitcast3A_510 = vector.bitcast %get3A_509 : vector<16xi32> to vector<32xi16>
      %unpack3A_511 = tpu.unpack_subelements %bitcast3A_510, 0 {pack_format = #tpu.pack_format<interleaved>} : vector<32xi16> -> vector<16xi32>
      %unpack3A_512 = tpu.unpack_subelements %bitcast3A_510, 1 {pack_format = #tpu.pack_format<interleaved>} : vector<32xi16> -> vector<16xi32>
      %gather3A_513 = tpu.vector_load_idx %arg6[%unpack3A_511] : memref<2048xf32, #tpu.memory_space<vmem>>[vector<16xi32>], vector<16xf32>,
      %add3A_514 = arith.addf %add3A_494, %gather3A_513 : vector<16xf32>
      %gather3A_515 = tpu.vector_load_idx %arg6[%unpack3A_512] : memref<2048xf32, #tpu.memory_space<vmem>>[vector<16xi32>], vector<16xf32>,
      %add3A_516 = arith.addf %add3A_496, %gather3A_515 : vector<16xf32>
      %get3A_517 = arith.index_cast %add3A_449 : i32 to index
      %get3A_518 = arith.constant 112 : index
      %get3A_519 = tpu.vector_load %arg5[%get3A_517, %get3A_518] {strides = array<i32>} : memref<32x256xi32, #tpu.memory_space<vmem>>, vector<16xi32>,
      %bitcast3A_520 = vector.bitcast %get3A_519 : vector<16xi32> to vector<32xi16>
      %unpack3A_521 = tpu.unpack_subelements %bitcast3A_520, 0 {pack_format = #tpu.pack_format<interleaved>} : vector<32xi16> -> vector<16xi32>
      %unpack3A_522 = tpu.unpack_subelements %bitcast3A_520, 1 {pack_format = #tpu.pack_format<interleaved>} : vector<32xi16> -> vector<16xi32>
      %gather3A_523 = tpu.vector_load_idx %arg6[%unpack3A_521] : memref<2048xf32, #tpu.memory_space<vmem>>[vector<16xi32>], vector<16xf32>,
      %add3A_524 = arith.addf %add3A_504, %gather3A_523 : vector<16xf32>
      %gather3A_525 = tpu.vector_load_idx %arg6[%unpack3A_522] : memref<2048xf32, #tpu.memory_space<vmem>>[vector<16xi32>], vector<16xf32>,
      %add3A_526 = arith.addf %add3A_506, %gather3A_525 : vector<16xf32>
      %get3A_527 = arith.index_cast %add3A_449 : i32 to index
      %get3A_528 = arith.constant 128 : index
      %get3A_529 = tpu.vector_load %arg5[%get3A_527, %get3A_528] {strides = array<i32>} : memref<32x256xi32, #tpu.memory_space<vmem>>, vector<16xi32>,
      %bitcast3A_530 = vector.bitcast %get3A_529 : vector<16xi32> to vector<32xi16>
      %unpack3A_531 = tpu.unpack_subelements %bitcast3A_530, 0 {pack_format = #tpu.pack_format<interleaved>} : vector<32xi16> -> vector<16xi32>
      %unpack3A_532 = tpu.unpack_subelements %bitcast3A_530, 1 {pack_format = #tpu.pack_format<interleaved>} : vector<32xi16> -> vector<16xi32>
      %gather3A_533 = tpu.vector_load_idx %arg6[%unpack3A_531] : memref<2048xf32, #tpu.memory_space<vmem>>[vector<16xi32>], vector<16xf32>,
      %add3A_534 = arith.addf %add3A_514, %gather3A_533 : vector<16xf32>
      %gather3A_535 = tpu.vector_load_idx %arg6[%unpack3A_532] : memref<2048xf32, #tpu.memory_space<vmem>>[vector<16xi32>], vector<16xf32>,
      %add3A_536 = arith.addf %add3A_516, %gather3A_535 : vector<16xf32>
      %get3A_537 = arith.index_cast %add3A_449 : i32 to index
      %get3A_538 = arith.constant 144 : index
      %get3A_539 = tpu.vector_load %arg5[%get3A_537, %get3A_538] {strides = array<i32>} : memref<32x256xi32, #tpu.memory_space<vmem>>, vector<16xi32>,
      %bitcast3A_540 = vector.bitcast %get3A_539 : vector<16xi32> to vector<32xi16>
      %unpack3A_541 = tpu.unpack_subelements %bitcast3A_540, 0 {pack_format = #tpu.pack_format<interleaved>} : vector<32xi16> -> vector<16xi32>
      %unpack3A_542 = tpu.unpack_subelements %bitcast3A_540, 1 {pack_format = #tpu.pack_format<interleaved>} : vector<32xi16> -> vector<16xi32>
      %gather3A_543 = tpu.vector_load_idx %arg6[%unpack3A_541] : memref<2048xf32, #tpu.memory_space<vmem>>[vector<16xi32>], vector<16xf32>,
      %add3A_544 = arith.addf %add3A_524, %gather3A_543 : vector<16xf32>
      %gather3A_545 = tpu.vector_load_idx %arg6[%unpack3A_542] : memref<2048xf32, #tpu.memory_space<vmem>>[vector<16xi32>], vector<16xf32>,
      %add3A_546 = arith.addf %add3A_526, %gather3A_545 : vector<16xf32>
      %get3A_547 = arith.index_cast %add3A_449 : i32 to index
      %get3A_548 = arith.constant 160 : index
      %get3A_549 = tpu.vector_load %arg5[%get3A_547, %get3A_548] {strides = array<i32>} : memref<32x256xi32, #tpu.memory_space<vmem>>, vector<16xi32>,
      %bitcast3A_550 = vector.bitcast %get3A_549 : vector<16xi32> to vector<32xi16>
      %unpack3A_551 = tpu.unpack_subelements %bitcast3A_550, 0 {pack_format = #tpu.pack_format<interleaved>} : vector<32xi16> -> vector<16xi32>
      %unpack3A_552 = tpu.unpack_subelements %bitcast3A_550, 1 {pack_format = #tpu.pack_format<interleaved>} : vector<32xi16> -> vector<16xi32>
      %gather3A_553 = tpu.vector_load_idx %arg6[%unpack3A_551] : memref<2048xf32, #tpu.memory_space<vmem>>[vector<16xi32>], vector<16xf32>,
      %add3A_554 = arith.addf %add3A_534, %gather3A_553 : vector<16xf32>
      %gather3A_555 = tpu.vector_load_idx %arg6[%unpack3A_552] : memref<2048xf32, #tpu.memory_space<vmem>>[vector<16xi32>], vector<16xf32>,
      %add3A_556 = arith.addf %add3A_536, %gather3A_555 : vector<16xf32>
      %get3A_557 = arith.index_cast %add3A_449 : i32 to index
      %get3A_558 = arith.constant 176 : index
      %get3A_559 = tpu.vector_load %arg5[%get3A_557, %get3A_558] {strides = array<i32>} : memref<32x256xi32, #tpu.memory_space<vmem>>, vector<16xi32>,
      %bitcast3A_560 = vector.bitcast %get3A_559 : vector<16xi32> to vector<32xi16>
      %unpack3A_561 = tpu.unpack_subelements %bitcast3A_560, 0 {pack_format = #tpu.pack_format<interleaved>} : vector<32xi16> -> vector<16xi32>
      %unpack3A_562 = tpu.unpack_subelements %bitcast3A_560, 1 {pack_format = #tpu.pack_format<interleaved>} : vector<32xi16> -> vector<16xi32>
      %gather3A_563 = tpu.vector_load_idx %arg6[%unpack3A_561] : memref<2048xf32, #tpu.memory_space<vmem>>[vector<16xi32>], vector<16xf32>,
      %add3A_564 = arith.addf %add3A_544, %gather3A_563 : vector<16xf32>
      %gather3A_565 = tpu.vector_load_idx %arg6[%unpack3A_562] : memref<2048xf32, #tpu.memory_space<vmem>>[vector<16xi32>], vector<16xf32>,
      %add3A_566 = arith.addf %add3A_546, %gather3A_565 : vector<16xf32>
      %get3A_567 = arith.index_cast %add3A_449 : i32 to index
      %get3A_568 = arith.constant 192 : index
      %get3A_569 = tpu.vector_load %arg5[%get3A_567, %get3A_568] {strides = array<i32>} : memref<32x256xi32, #tpu.memory_space<vmem>>, vector<16xi32>,
      %bitcast3A_570 = vector.bitcast %get3A_569 : vector<16xi32> to vector<32xi16>
      %unpack3A_571 = tpu.unpack_subelements %bitcast3A_570, 0 {pack_format = #tpu.pack_format<interleaved>} : vector<32xi16> -> vector<16xi32>
      %unpack3A_572 = tpu.unpack_subelements %bitcast3A_570, 1 {pack_format = #tpu.pack_format<interleaved>} : vector<32xi16> -> vector<16xi32>
      %gather3A_573 = tpu.vector_load_idx %arg6[%unpack3A_571] : memref<2048xf32, #tpu.memory_space<vmem>>[vector<16xi32>], vector<16xf32>,
      %add3A_574 = arith.addf %add3A_554, %gather3A_573 : vector<16xf32>
      %gather3A_575 = tpu.vector_load_idx %arg6[%unpack3A_572] : memref<2048xf32, #tpu.memory_space<vmem>>[vector<16xi32>], vector<16xf32>,
      %add3A_576 = arith.addf %add3A_556, %gather3A_575 : vector<16xf32>
      %get3A_577 = arith.index_cast %add3A_449 : i32 to index
      %get3A_578 = arith.constant 208 : index
      %get3A_579 = tpu.vector_load %arg5[%get3A_577, %get3A_578] {strides = array<i32>} : memref<32x256xi32, #tpu.memory_space<vmem>>, vector<16xi32>,
      %bitcast3A_580 = vector.bitcast %get3A_579 : vector<16xi32> to vector<32xi16>
      %unpack3A_581 = tpu.unpack_subelements %bitcast3A_580, 0 {pack_format = #tpu.pack_format<interleaved>} : vector<32xi16> -> vector<16xi32>
      %unpack3A_582 = tpu.unpack_subelements %bitcast3A_580, 1 {pack_format = #tpu.pack_format<interleaved>} : vector<32xi16> -> vector<16xi32>
      %gather3A_583 = tpu.vector_load_idx %arg6[%unpack3A_581] : memref<2048xf32, #tpu.memory_space<vmem>>[vector<16xi32>], vector<16xf32>,
      %add3A_584 = arith.addf %add3A_564, %gather3A_583 : vector<16xf32>
      %gather3A_585 = tpu.vector_load_idx %arg6[%unpack3A_582] : memref<2048xf32, #tpu.memory_space<vmem>>[vector<16xi32>], vector<16xf32>,
      %add3A_586 = arith.addf %add3A_566, %gather3A_585 : vector<16xf32>
      %get3A_587 = arith.index_cast %add3A_449 : i32 to index
      %get3A_588 = arith.constant 224 : index
      %get3A_589 = tpu.vector_load %arg5[%get3A_587, %get3A_588] {strides = array<i32>} : memref<32x256xi32, #tpu.memory_space<vmem>>, vector<16xi32>,
      %bitcast3A_590 = vector.bitcast %get3A_589 : vector<16xi32> to vector<32xi16>
      %unpack3A_591 = tpu.unpack_subelements %bitcast3A_590, 0 {pack_format = #tpu.pack_format<interleaved>} : vector<32xi16> -> vector<16xi32>
      %unpack3A_592 = tpu.unpack_subelements %bitcast3A_590, 1 {pack_format = #tpu.pack_format<interleaved>} : vector<32xi16> -> vector<16xi32>
      %gather3A_593 = tpu.vector_load_idx %arg6[%unpack3A_591] : memref<2048xf32, #tpu.memory_space<vmem>>[vector<16xi32>], vector<16xf32>,
      %add3A_594 = arith.addf %add3A_574, %gather3A_593 : vector<16xf32>
      %gather3A_595 = tpu.vector_load_idx %arg6[%unpack3A_592] : memref<2048xf32, #tpu.memory_space<vmem>>[vector<16xi32>], vector<16xf32>,
      %add3A_596 = arith.addf %add3A_576, %gather3A_595 : vector<16xf32>
      %get3A_597 = arith.index_cast %add3A_449 : i32 to index
      %get3A_598 = arith.constant 240 : index
      %get3A_599 = tpu.vector_load %arg5[%get3A_597, %get3A_598] {strides = array<i32>} : memref<32x256xi32, #tpu.memory_space<vmem>>, vector<16xi32>,
      %bitcast3A_600 = vector.bitcast %get3A_599 : vector<16xi32> to vector<32xi16>
      %unpack3A_601 = tpu.unpack_subelements %bitcast3A_600, 0 {pack_format = #tpu.pack_format<interleaved>} : vector<32xi16> -> vector<16xi32>
      %unpack3A_602 = tpu.unpack_subelements %bitcast3A_600, 1 {pack_format = #tpu.pack_format<interleaved>} : vector<32xi16> -> vector<16xi32>
      %gather3A_603 = tpu.vector_load_idx %arg6[%unpack3A_601] : memref<2048xf32, #tpu.memory_space<vmem>>[vector<16xi32>], vector<16xf32>,
      %add3A_604 = arith.addf %add3A_584, %gather3A_603 : vector<16xf32>
      %gather3A_605 = tpu.vector_load_idx %arg6[%unpack3A_602] : memref<2048xf32, #tpu.memory_space<vmem>>[vector<16xi32>], vector<16xf32>,
      %add3A_606 = arith.addf %add3A_586, %gather3A_605 : vector<16xf32>
      %add3A_607 = arith.addf %add3A_594, %add3A_596 : vector<16xf32>
      %add3A_608 = arith.addf %add3A_604, %add3A_606 : vector<16xf32>
      %add3A_609 = arith.addf %add3A_607, %add3A_608 : vector<16xf32>
      %mul3A_610 = arith.constant 16 : i32
      %mul3A_611 = arith.muli %add3A_449, %mul3A_610 : i32
      %add3A_612 = vector.broadcast %add3A_449 : i32 to vector<16xi32>
      %add3A_613 = arith.addi %iota3A, %add3A_612 : vector<16xi32>
      %and3A_614 = arith.constant 15 : i32
      %and3A_615 = vector.broadcast %and3A_614 : i32 to vector<16xi32>
      %and3A_616 = arith.andi %add3A_613, %and3A_615 : vector<16xi32>
      %add3A_617 = vector.broadcast %mul3A_611 : i32 to vector<16xi32>
      %add3A_618 = arith.addi %add3A_617, %and3A_616 : vector<16xi32>
      tpu.vector_store_idx %arg7[%add3A_618], %add3A_609 : memref<512xf32, #tpu.memory_space<vmem>>[vector<16xi32>], vector<16xf32>,
    }
    %scan3A_250 = arith.constant 16 : i32
    %add3A_251 = arith.constant 0 : i32
    %add3A_252 = vector.broadcast %add3A_251 : i32 to vector<16xi32>
    %add3A_253 = arith.addi %iota3A, %add3A_252 : vector<16xi32>
    %and3A_254 = arith.constant 15 : i32
    %and3A_255 = vector.broadcast %and3A_254 : i32 to vector<16xi32>
    %and3A_256 = arith.andi %add3A_253, %and3A_255 : vector<16xi32>
    %add3A_257 = arith.addi %mul3A_28, %and3A_256 : vector<16xi32>
    %add3A_258 = arith.constant 256 : i32
    %add3A_259 = vector.broadcast %add3A_258 : i32 to vector<16xi32>
    %add3A_260 = arith.addi %add3A_257, %add3A_259 : vector<16xi32>
    %gather3A_261 = tpu.vector_load_idx %arg7[%add3A_260] : memref<512xf32, #tpu.memory_space<vmem>>[vector<16xi32>], vector<16xf32>,
    %add3A_262 = arith.addf %broadcast_in_dim3A_29, %gather3A_261 : vector<16xf32>
    %add3A_263 = arith.constant 1 : i32
    %add3A_264 = vector.broadcast %add3A_263 : i32 to vector<16xi32>
    %add3A_265 = arith.addi %iota3A, %add3A_264 : vector<16xi32>
    %and3A_266 = arith.constant 15 : i32
    %and3A_267 = vector.broadcast %and3A_266 : i32 to vector<16xi32>
    %and3A_268 = arith.andi %add3A_265, %and3A_267 : vector<16xi32>
    %add3A_269 = arith.addi %mul3A_28, %and3A_268 : vector<16xi32>
    %add3A_270 = arith.constant 256 : i32
    %add3A_271 = vector.broadcast %add3A_270 : i32 to vector<16xi32>
    %add3A_272 = arith.addi %add3A_269, %add3A_271 : vector<16xi32>
    %gather3A_273 = tpu.vector_load_idx %arg7[%add3A_272] : memref<512xf32, #tpu.memory_space<vmem>>[vector<16xi32>], vector<16xf32>,
    %add3A_274 = arith.addf %add3A_262, %gather3A_273 : vector<16xf32>
    %add3A_275 = arith.constant 2 : i32
    %add3A_276 = vector.broadcast %add3A_275 : i32 to vector<16xi32>
    %add3A_277 = arith.addi %iota3A, %add3A_276 : vector<16xi32>
    %and3A_278 = arith.constant 15 : i32
    %and3A_279 = vector.broadcast %and3A_278 : i32 to vector<16xi32>
    %and3A_280 = arith.andi %add3A_277, %and3A_279 : vector<16xi32>
    %add3A_281 = arith.addi %mul3A_28, %and3A_280 : vector<16xi32>
    %add3A_282 = arith.constant 256 : i32
    %add3A_283 = vector.broadcast %add3A_282 : i32 to vector<16xi32>
    %add3A_284 = arith.addi %add3A_281, %add3A_283 : vector<16xi32>
    %gather3A_285 = tpu.vector_load_idx %arg7[%add3A_284] : memref<512xf32, #tpu.memory_space<vmem>>[vector<16xi32>], vector<16xf32>,
    %add3A_286 = arith.addf %add3A_274, %gather3A_285 : vector<16xf32>
    %add3A_287 = arith.constant 3 : i32
    %add3A_288 = vector.broadcast %add3A_287 : i32 to vector<16xi32>
    %add3A_289 = arith.addi %iota3A, %add3A_288 : vector<16xi32>
    %and3A_290 = arith.constant 15 : i32
    %and3A_291 = vector.broadcast %and3A_290 : i32 to vector<16xi32>
    %and3A_292 = arith.andi %add3A_289, %and3A_291 : vector<16xi32>
    %add3A_293 = arith.addi %mul3A_28, %and3A_292 : vector<16xi32>
    %add3A_294 = arith.constant 256 : i32
    %add3A_295 = vector.broadcast %add3A_294 : i32 to vector<16xi32>
    %add3A_296 = arith.addi %add3A_293, %add3A_295 : vector<16xi32>
    %gather3A_297 = tpu.vector_load_idx %arg7[%add3A_296] : memref<512xf32, #tpu.memory_space<vmem>>[vector<16xi32>], vector<16xf32>,
    %add3A_298 = arith.addf %add3A_286, %gather3A_297 : vector<16xf32>
    %add3A_299 = arith.constant 4 : i32
    %add3A_300 = vector.broadcast %add3A_299 : i32 to vector<16xi32>
    %add3A_301 = arith.addi %iota3A, %add3A_300 : vector<16xi32>
    %and3A_302 = arith.constant 15 : i32
    %and3A_303 = vector.broadcast %and3A_302 : i32 to vector<16xi32>
    %and3A_304 = arith.andi %add3A_301, %and3A_303 : vector<16xi32>
    %add3A_305 = arith.addi %mul3A_28, %and3A_304 : vector<16xi32>
    %add3A_306 = arith.constant 256 : i32
    %add3A_307 = vector.broadcast %add3A_306 : i32 to vector<16xi32>
    %add3A_308 = arith.addi %add3A_305, %add3A_307 : vector<16xi32>
    %gather3A_309 = tpu.vector_load_idx %arg7[%add3A_308] : memref<512xf32, #tpu.memory_space<vmem>>[vector<16xi32>], vector<16xf32>,
    %add3A_310 = arith.addf %add3A_298, %gather3A_309 : vector<16xf32>
    %add3A_311 = arith.constant 5 : i32
    %add3A_312 = vector.broadcast %add3A_311 : i32 to vector<16xi32>
    %add3A_313 = arith.addi %iota3A, %add3A_312 : vector<16xi32>
    %and3A_314 = arith.constant 15 : i32
    %and3A_315 = vector.broadcast %and3A_314 : i32 to vector<16xi32>
    %and3A_316 = arith.andi %add3A_313, %and3A_315 : vector<16xi32>
    %add3A_317 = arith.addi %mul3A_28, %and3A_316 : vector<16xi32>
    %add3A_318 = arith.constant 256 : i32
    %add3A_319 = vector.broadcast %add3A_318 : i32 to vector<16xi32>
    %add3A_320 = arith.addi %add3A_317, %add3A_319 : vector<16xi32>
    %gather3A_321 = tpu.vector_load_idx %arg7[%add3A_320] : memref<512xf32, #tpu.memory_space<vmem>>[vector<16xi32>], vector<16xf32>,
    %add3A_322 = arith.addf %add3A_310, %gather3A_321 : vector<16xf32>
    %add3A_323 = arith.constant 6 : i32
    %add3A_324 = vector.broadcast %add3A_323 : i32 to vector<16xi32>
    %add3A_325 = arith.addi %iota3A, %add3A_324 : vector<16xi32>
    %and3A_326 = arith.constant 15 : i32
    %and3A_327 = vector.broadcast %and3A_326 : i32 to vector<16xi32>
    %and3A_328 = arith.andi %add3A_325, %and3A_327 : vector<16xi32>
    %add3A_329 = arith.addi %mul3A_28, %and3A_328 : vector<16xi32>
    %add3A_330 = arith.constant 256 : i32
    %add3A_331 = vector.broadcast %add3A_330 : i32 to vector<16xi32>
    %add3A_332 = arith.addi %add3A_329, %add3A_331 : vector<16xi32>
    %gather3A_333 = tpu.vector_load_idx %arg7[%add3A_332] : memref<512xf32, #tpu.memory_space<vmem>>[vector<16xi32>], vector<16xf32>,
    %add3A_334 = arith.addf %add3A_322, %gather3A_333 : vector<16xf32>
    %add3A_335 = arith.constant 7 : i32
    %add3A_336 = vector.broadcast %add3A_335 : i32 to vector<16xi32>
    %add3A_337 = arith.addi %iota3A, %add3A_336 : vector<16xi32>
    %and3A_338 = arith.constant 15 : i32
    %and3A_339 = vector.broadcast %and3A_338 : i32 to vector<16xi32>
    %and3A_340 = arith.andi %add3A_337, %and3A_339 : vector<16xi32>
    %add3A_341 = arith.addi %mul3A_28, %and3A_340 : vector<16xi32>
    %add3A_342 = arith.constant 256 : i32
    %add3A_343 = vector.broadcast %add3A_342 : i32 to vector<16xi32>
    %add3A_344 = arith.addi %add3A_341, %add3A_343 : vector<16xi32>
    %gather3A_345 = tpu.vector_load_idx %arg7[%add3A_344] : memref<512xf32, #tpu.memory_space<vmem>>[vector<16xi32>], vector<16xf32>,
    %add3A_346 = arith.addf %add3A_334, %gather3A_345 : vector<16xf32>
    %add3A_347 = arith.constant 8 : i32
    %add3A_348 = vector.broadcast %add3A_347 : i32 to vector<16xi32>
    %add3A_349 = arith.addi %iota3A, %add3A_348 : vector<16xi32>
    %and3A_350 = arith.constant 15 : i32
    %and3A_351 = vector.broadcast %and3A_350 : i32 to vector<16xi32>
    %and3A_352 = arith.andi %add3A_349, %and3A_351 : vector<16xi32>
    %add3A_353 = arith.addi %mul3A_28, %and3A_352 : vector<16xi32>
    %add3A_354 = arith.constant 256 : i32
    %add3A_355 = vector.broadcast %add3A_354 : i32 to vector<16xi32>
    %add3A_356 = arith.addi %add3A_353, %add3A_355 : vector<16xi32>
    %gather3A_357 = tpu.vector_load_idx %arg7[%add3A_356] : memref<512xf32, #tpu.memory_space<vmem>>[vector<16xi32>], vector<16xf32>,
    %add3A_358 = arith.addf %add3A_346, %gather3A_357 : vector<16xf32>
    %add3A_359 = arith.constant 9 : i32
    %add3A_360 = vector.broadcast %add3A_359 : i32 to vector<16xi32>
    %add3A_361 = arith.addi %iota3A, %add3A_360 : vector<16xi32>
    %and3A_362 = arith.constant 15 : i32
    %and3A_363 = vector.broadcast %and3A_362 : i32 to vector<16xi32>
    %and3A_364 = arith.andi %add3A_361, %and3A_363 : vector<16xi32>
    %add3A_365 = arith.addi %mul3A_28, %and3A_364 : vector<16xi32>
    %add3A_366 = arith.constant 256 : i32
    %add3A_367 = vector.broadcast %add3A_366 : i32 to vector<16xi32>
    %add3A_368 = arith.addi %add3A_365, %add3A_367 : vector<16xi32>
    %gather3A_369 = tpu.vector_load_idx %arg7[%add3A_368] : memref<512xf32, #tpu.memory_space<vmem>>[vector<16xi32>], vector<16xf32>,
    %add3A_370 = arith.addf %add3A_358, %gather3A_369 : vector<16xf32>
    %add3A_371 = arith.constant 10 : i32
    %add3A_372 = vector.broadcast %add3A_371 : i32 to vector<16xi32>
    %add3A_373 = arith.addi %iota3A, %add3A_372 : vector<16xi32>
    %and3A_374 = arith.constant 15 : i32
    %and3A_375 = vector.broadcast %and3A_374 : i32 to vector<16xi32>
    %and3A_376 = arith.andi %add3A_373, %and3A_375 : vector<16xi32>
    %add3A_377 = arith.addi %mul3A_28, %and3A_376 : vector<16xi32>
    %add3A_378 = arith.constant 256 : i32
    %add3A_379 = vector.broadcast %add3A_378 : i32 to vector<16xi32>
    %add3A_380 = arith.addi %add3A_377, %add3A_379 : vector<16xi32>
    %gather3A_381 = tpu.vector_load_idx %arg7[%add3A_380] : memref<512xf32, #tpu.memory_space<vmem>>[vector<16xi32>], vector<16xf32>,
    %add3A_382 = arith.addf %add3A_370, %gather3A_381 : vector<16xf32>
    %add3A_383 = arith.constant 11 : i32
    %add3A_384 = vector.broadcast %add3A_383 : i32 to vector<16xi32>
    %add3A_385 = arith.addi %iota3A, %add3A_384 : vector<16xi32>
    %and3A_386 = arith.constant 15 : i32
    %and3A_387 = vector.broadcast %and3A_386 : i32 to vector<16xi32>
    %and3A_388 = arith.andi %add3A_385, %and3A_387 : vector<16xi32>
    %add3A_389 = arith.addi %mul3A_28, %and3A_388 : vector<16xi32>
    %add3A_390 = arith.constant 256 : i32
    %add3A_391 = vector.broadcast %add3A_390 : i32 to vector<16xi32>
    %add3A_392 = arith.addi %add3A_389, %add3A_391 : vector<16xi32>
    %gather3A_393 = tpu.vector_load_idx %arg7[%add3A_392] : memref<512xf32, #tpu.memory_space<vmem>>[vector<16xi32>], vector<16xf32>,
    %add3A_394 = arith.addf %add3A_382, %gather3A_393 : vector<16xf32>
    %add3A_395 = arith.constant 12 : i32
    %add3A_396 = vector.broadcast %add3A_395 : i32 to vector<16xi32>
    %add3A_397 = arith.addi %iota3A, %add3A_396 : vector<16xi32>
    %and3A_398 = arith.constant 15 : i32
    %and3A_399 = vector.broadcast %and3A_398 : i32 to vector<16xi32>
    %and3A_400 = arith.andi %add3A_397, %and3A_399 : vector<16xi32>
    %add3A_401 = arith.addi %mul3A_28, %and3A_400 : vector<16xi32>
    %add3A_402 = arith.constant 256 : i32
    %add3A_403 = vector.broadcast %add3A_402 : i32 to vector<16xi32>
    %add3A_404 = arith.addi %add3A_401, %add3A_403 : vector<16xi32>
    %gather3A_405 = tpu.vector_load_idx %arg7[%add3A_404] : memref<512xf32, #tpu.memory_space<vmem>>[vector<16xi32>], vector<16xf32>,
    %add3A_406 = arith.addf %add3A_394, %gather3A_405 : vector<16xf32>
    %add3A_407 = arith.constant 13 : i32
    %add3A_408 = vector.broadcast %add3A_407 : i32 to vector<16xi32>
    %add3A_409 = arith.addi %iota3A, %add3A_408 : vector<16xi32>
    %and3A_410 = arith.constant 15 : i32
    %and3A_411 = vector.broadcast %and3A_410 : i32 to vector<16xi32>
    %and3A_412 = arith.andi %add3A_409, %and3A_411 : vector<16xi32>
    %add3A_413 = arith.addi %mul3A_28, %and3A_412 : vector<16xi32>
    %add3A_414 = arith.constant 256 : i32
    %add3A_415 = vector.broadcast %add3A_414 : i32 to vector<16xi32>
    %add3A_416 = arith.addi %add3A_413, %add3A_415 : vector<16xi32>
    %gather3A_417 = tpu.vector_load_idx %arg7[%add3A_416] : memref<512xf32, #tpu.memory_space<vmem>>[vector<16xi32>], vector<16xf32>,
    %add3A_418 = arith.addf %add3A_406, %gather3A_417 : vector<16xf32>
    %add3A_419 = arith.constant 14 : i32
    %add3A_420 = vector.broadcast %add3A_419 : i32 to vector<16xi32>
    %add3A_421 = arith.addi %iota3A, %add3A_420 : vector<16xi32>
    %and3A_422 = arith.constant 15 : i32
    %and3A_423 = vector.broadcast %and3A_422 : i32 to vector<16xi32>
    %and3A_424 = arith.andi %add3A_421, %and3A_423 : vector<16xi32>
    %add3A_425 = arith.addi %mul3A_28, %and3A_424 : vector<16xi32>
    %add3A_426 = arith.constant 256 : i32
    %add3A_427 = vector.broadcast %add3A_426 : i32 to vector<16xi32>
    %add3A_428 = arith.addi %add3A_425, %add3A_427 : vector<16xi32>
    %gather3A_429 = tpu.vector_load_idx %arg7[%add3A_428] : memref<512xf32, #tpu.memory_space<vmem>>[vector<16xi32>], vector<16xf32>,
    %add3A_430 = arith.addf %add3A_418, %gather3A_429 : vector<16xf32>
    %add3A_431 = arith.constant 15 : i32
    %add3A_432 = vector.broadcast %add3A_431 : i32 to vector<16xi32>
    %add3A_433 = arith.addi %iota3A, %add3A_432 : vector<16xi32>
    %and3A_434 = arith.constant 15 : i32
    %and3A_435 = vector.broadcast %and3A_434 : i32 to vector<16xi32>
    %and3A_436 = arith.andi %add3A_433, %and3A_435 : vector<16xi32>
    %add3A_437 = arith.addi %mul3A_28, %and3A_436 : vector<16xi32>
    %add3A_438 = arith.constant 256 : i32
    %add3A_439 = vector.broadcast %add3A_438 : i32 to vector<16xi32>
    %add3A_440 = arith.addi %add3A_437, %add3A_439 : vector<16xi32>
    %gather3A_441 = tpu.vector_load_idx %arg7[%add3A_440] : memref<512xf32, #tpu.memory_space<vmem>>[vector<16xi32>], vector<16xf32>,
    %add3A_442 = arith.addf %add3A_430, %gather3A_441 : vector<16xf32>
    %swap3A_443 = arith.constant 16 : index
    %swap3A_444 = tpu.vector_load %arg8[%swap3A_443] {strides = array<i32>} : memref<32xf32, #tpu.memory_space<vmem>>, vector<16xf32>,
    tpu.vector_store %arg8[%swap3A_443], %add3A_442 {strides = array<i32>} : memref<32xf32, #tpu.memory_space<vmem>>, vector<16xf32>,
    %mul3A_445 = arith.constant 32 : i32
    %mul3A_446 = arith.muli %add3A, %mul3A_445 : i32
    "tpu.region"() ({
      %run_scoped3A = tpu.sem_alloc : memref<!tpu.dma_semaphore, #tpu.memory_space<semaphore_mem>>
      %dma_start3A_447 = tpu.memref_slice %arg4[%mul3A_446] : memref<1024xf32, #tpu.memory_space<hbm>> -> memref<32xf32, #tpu.memory_space<hbm>>
      %dma_start3A_448 = tpu.memref_slice %arg4[%mul3A_446] : memref<1024xf32, #tpu.memory_space<hbm>> -> memref<32xf32, #tpu.memory_space<hbm>>
      tpu.enqueue_dma source(%arg8 : memref<32xf32, #tpu.memory_space<vmem>>) target(%dma_start3A_448 : memref<32xf32, #tpu.memory_space<hbm>>) target_semaphore(%run_scoped3A : memref<!tpu.dma_semaphore, #tpu.memory_space<semaphore_mem>>)
      %dma_wait3A_449 = tpu.memref_slice %arg4[%mul3A_446] : memref<1024xf32, #tpu.memory_space<hbm>> -> memref<32xf32, #tpu.memory_space<hbm>>
      %dma_wait3A_450 = tpu.memref_slice %arg4[%mul3A_446] : memref<1024xf32, #tpu.memory_space<hbm>> -> memref<32xf32, #tpu.memory_space<hbm>>
      tpu.wait_dma2 semaphore(%run_scoped3A : memref<!tpu.dma_semaphore, #tpu.memory_space<semaphore_mem>>) src(%arg8 : memref<32xf32, #tpu.memory_space<vmem>>) dst(%dma_wait3A_450 : memref<32xf32, #tpu.memory_space<hbm>>)
      tpu.yield
    }) : () -> ()
    return
  }
}

</mosaic_0001>

<sc_bundles>
// kernel: kernel.3.cloned.1.call-start
scs
__scs_entry_jumppad:
0x0: {  	(pc) =	sbr.rel $0x88, $3  }
0x1: {  	(tag) =	ssettag $0x0;
	lr =	simm.s32 $0x1  }
0x2: {  	[smem:$0x3F9F] =	sst lr;
	_ =	strace $0xD0000000  }
0x3: {  	_ = 	snop  }
0x4: {  	_ = 	snop  }
0x5: {  	_ = 	snop  }
0x6: {  	_ = 	snop  }
0x7: {  	_ = 	snop  }
__scs_overlays_trampoline_lowered:
0x8: {  	[smem:$0x3FAE] =	sst s0  }
0x9: {  	[smem:$0x3FAF] =	sst s1  }
0xa: {  	[smem:$0x3FB0] =	sst s2  }
0xb: {  	[smem:$0x3FB1] =	sst s3  }
0xc: {  	[smem:$0x3FB2] =	sst s4  }
0xd: {  	[smem:$0x3FB3] =	sst s5  }
0xe: {  	[smem:$0x3FB4] =	sst s6  }
0xf: {  	[smem:$0x3FB5] =	sst s7  }
0x10: {  	[smem:$0x3FB6] =	sst s8  }
0x11: {  	[smem:$0x3FB7] =	sst s9;
	s0 =	simm.s32 @!p0 $0x0  }
0x12: {  	s1 =	sld [smem:$0x3F9D];
	s0 =	simm.s32 @p0 $0x1  }
0x13: {  	[smem:$0x3FB8] =	sst s0;
	s0 =	simm.s32 @!p1 $0x0  }
0x14: {  	s2 =	sld [smem:$0x3F9C];
	s0 =	simm.s32 @p1 $0x1  }
0x15: {  	[smem:$0x3FB9] =	sst s0;
	s0 =	simm.s32 @!p2 $0x0  }
0x16: {  	s3 =	sld [smem:$0x3FDB];
	s0 =	simm.s32 @p2 $0x1  }
0x17: {  	s4 =	simm.s32 $0x1BF5;
	[smem:$0x3FBB] =	sst s0  }
0x18: {  	s0 =	sld [smem:$0x3F9E];
	_ =	swait.ge [sflag:s4], $0x0  }
0x19: {  	s7 =	sld [smem:$0x3F9F]  }
0x1a: {  	s8 =	sadd.s32 $0xFFFFE003, lr  }
0x1b: {  	s9 =	sadd.s32 $0xFFFFFEF7, lr;
	s5 =	simm.s32 $0xFFFFFFFF;
	p2 =	slt.u32 s8, $0xFFFFF086  }
0x1c: {  	p1 =	slt.u32 s9, $0xF7A;
	s5 =	simm.s32 @!p2 $0x0  }
0x1d: {  	s5 =	simm.s32 @p1 $0x1;
	p0 =	seq.s32 s7, s2  }
0x1e: {  	s7 =	smul.u32 @!p0 $0xF7A, s2;
	p2 =	seq.s32 @!p0 s5, $0x0  }
0x1f: {  	s9 =	smul.u32 $0xF7A, s1;
	s8 =	simm.s32 @!p0 $0x1BF5;
	p2 =	por !p2, p0  }
0x20: {  	[sflag:s8] =	ssyncset.s32 @!p0 $0xFFFFF086;
	s6 =	sadd.s32 @!p0 s3, s7;
	s7 =	simm.s32 @!p0 $0x108  }
0x21: {  	s3 =	sadd.s32 s3, s9;
	s6 =	sadd.s32 @!p0 $0x88, s6;
	s7 =	simm.s32 @p2 $0x1082  }
0x22: {  	[simem:s7], [sflag:s8] =	dma.local @!p0 [hbm:s6], $0xF7A  }
0x23: {  	s9 =	sor.u32 $0xD0000000, s2;
	s6 =	simm.s32 $0x108;
	_ =	swait.ge @!p0 [sflag:s8], $0x0  }
0x24: {  	s3 =	sadd.s32 $0x88, s3;
	s6 =	simm.s32 @!p1 $0x1082;
	[sflag:s4] =	ssyncset.s32 $0xFFFFF086  }
0x25: {  	[simem:s6], [sflag:s4] =	dma.local [hbm:s3], $0xF7A  }
0x26: {  	[smem:$0x3F9F] =	sst s1;
	(tag) =	ssettag s2;
	_ =	strace s9  }
0x27: {  	s1 =	sld [smem:$0x3FAF]  }
0x28: {  	s2 =	sld [smem:$0x3FB0]  }
0x29: {  	s4 =	sld [smem:$0x3FB2]  }
0x2a: {  	p0 =	seq.s32 s5, $0x0;
	s5 =	sld [smem:$0x3FB3]  }
0x2b: {  	s6 =	sld [smem:$0x3FB4]  }
0x2c: {  	s7 =	sld [smem:$0x3FB5]  }
0x2d: {  	s3 =	simm.s32 $0x108;
	s8 =	sld [smem:$0x3FB6]  }
0x2e: {  	s3 =	simm.s32 @!p0 $0x1082;
	s9 =	sld [smem:$0x3FB7]  }
0x2f: {  	lr =	sadd.s32 s0, s3;
	s0 =	sld [smem:$0x3FAE]  }
0x30: {  	s3 =	sld [smem:$0x3FB1]  }
0x31: {  	[smem:$0x3FBA] =	sst s10  }
0x32: {  	s10 =	sld [smem:$0x3FB8];
	_ =	sdelay $0x3  }
0x33: {  	p0 =	seq.s32 s10, $0x1;
	s10 =	sld [smem:$0x3FBA];
	_ =	sdelay $0x3  }
0x34: {  	[smem:$0x3FBA] =	sst s10  }
0x35: {  	s10 =	sld [smem:$0x3FB9];
	_ =	sdelay $0x3  }
0x36: {  	p1 =	seq.s32 s10, $0x1;
	s10 =	sld [smem:$0x3FBA];
	_ =	sdelay $0x3  }
0x37: {  	[smem:$0x3FBA] =	sst s10  }
0x38: {  	s10 =	sld [smem:$0x3FBB]  }
0x39: {  	_ = 	snop;
	(pc) =	sbr.ind lr, $3  }
0x3a: {  	_ = 	snop  }
0x3b: {  	_ = 	snop  }
0x3c: {  	p2 =	seq.s32 s10, $0x1;
	s10 =	sld [smem:$0x3FBA]  }
0x3d: {  	_ =	shalt  }
0x3e: {  	_ =	shalt  }
0x3f: {  	_ =	shalt  }
0x40: {  	_ =	shalt  }
0x41: {  	_ =	shalt  }
0x42: {  	_ =	shalt  }
0x43: {  	_ =	shalt  }
0x44: {  	_ =	shalt  }
0x45: {  	_ =	shalt  }
0x46: {  	_ =	shalt  }
0x47: {  	_ =	shalt  }
0x48: {  	_ =	shalt  }
0x49: {  	_ =	shalt  }
0x4a: {  	_ =	shalt  }
0x4b: {  	_ =	shalt  }
0x4c: {  	_ =	shalt  }
0x4d: {  	_ =	shalt  }
0x4e: {  	_ =	shalt  }
0x4f: {  	_ =	shalt  }
0x50: {  	_ =	shalt  }
0x51: {  	_ =	shalt  }
0x52: {  	_ =	shalt  }
0x53: {  	_ =	shalt  }
0x54: {  	_ =	shalt  }
0x55: {  	_ =	shalt  }
0x56: {  	_ =	shalt  }
0x57: {  	_ =	shalt  }
0x58: {  	_ =	shalt  }
0x59: {  	_ =	shalt  }
0x5a: {  	_ =	shalt  }
0x5b: {  	_ =	shalt  }
0x5c: {  	_ =	shalt  }
0x5d: {  	_ =	shalt  }
0x5e: {  	_ =	shalt  }
0x5f: {  	_ =	shalt  }
0x60: {  	_ =	shalt  }
0x61: {  	_ =	shalt  }
0x62: {  	_ =	shalt  }
0x63: {  	_ =	shalt  }
0x64: {  	_ =	shalt  }
0x65: {  	_ =	shalt  }
0x66: {  	_ =	shalt  }
0x67: {  	_ =	shalt  }
0x68: {  	_ =	shalt  }
0x69: {  	_ =	shalt  }
0x6a: {  	_ =	shalt  }
0x6b: {  	_ =	shalt  }
0x6c: {  	_ =	shalt  }
0x6d: {  	_ =	shalt  }
0x6e: {  	_ =	shalt  }
0x6f: {  	_ =	shalt  }
0x70: {  	_ =	shalt  }
0x71: {  	_ =	shalt  }
0x72: {  	_ =	shalt  }
0x73: {  	_ =	shalt  }
0x74: {  	_ =	shalt  }
0x75: {  	_ =	shalt  }
0x76: {  	_ =	shalt  }
0x77: {  	_ =	shalt  }
0x78: {  	_ =	shalt  }
0x79: {  	_ =	shalt  }
0x7a: {  	_ =	shalt  }
0x7b: {  	_ =	shalt  }
0x7c: {  	_ =	shalt  }
0x7d: {  	_ =	shalt  }
0x7e: {  	_ =	shalt  }
0x7f: {  	_ =	shalt  }
0x80: {  	_ =	shalt  }
0x81: {  	_ =	shalt  }
0x82: {  	_ =	shalt  }
0x83: {  	_ =	shalt  }
0x84: {  	_ =	shalt  }
0x85: {  	_ =	shalt  }
0x86: {  	_ =	shalt  }
0x87: {  	_ =	shalt  }
.Lfunc_end0:
.L_simem_size_0:
called_computation_lowered:
.L_overlay_start_0:
0x88: {  	s2 =	sld [smem:$0x3FD9]  }
0x89: {  	s3 =	sld [smem:$0x3FFE];
	_ =	sdelay $0x1  }
0x8a: {  	s1 =	srdreg.scid  }
0x8b: {  	s0 =	sand.u32 $0x1, s1  }
0x8c: {  	s17 =	sshll.u32 s0, $0xA;
	s2 =	sadd.s32 s3, s2  }
0x8d: {  	s2 =	sadd.s32 s2, s17  }
0x8e: {  	[smem:$0x3FC6] =	sst s2  }
0x8f: {  	_ = 	snop  }
0x90: {  	s2 =	sld [smem:$0x3FD0];
	(tm) =	ssettm $0x1  }
0x91: {  	s18 =	sld [smem:$0x3FFB];
	_ =	sdelay $0x3  }
0x92: {  	_ =	strace s18  }
0x93: {  	s3 =	sld [smem:$0x3FFC];
	_ =	sdelay $0x3  }
0x94: {  	_ =	strace s3  }
0x95: {  	s3 =	sld [smem:$0x3FFD];
	_ =	sdelay $0x3  }
0x96: {  	_ =	strace s3  }
0x97: {  	_ =	strace $0x8FFFFFFF  }
0x98: {  	s19 =	sld [smem:$0x3FDB];
	_ =	sdelay $0x1  }
0x99: {  	s4 =	simm.s32 $_scs_section_size  }
0x9a: {  	s5 =	simm.s32 $_size__tile_overlayer_lowered;
	s6 =	simm.s32 $_tile_overlayer_lowered  }
0x9b: {  	s22 =	simm.s32 $0x1BFF;
	s21 =	sshll.u32 s6, $0x1;
	s3 =	sadd.s32 s4, s19  }
0x9c: {  	s7 =	simm.s32 $0x0;
	s20 =	sshll.u32 s5, $0x1;
	s5 =	sadd.s32 s21, s3  }
0x9d: {  	[timem:s7], [sflag:s22] =	dma.local [hbm:s5], s20  }
0x9e: {  	_ =	swait.ge [sflag:s22], s20  }
0x9f: {  	s4 =	ssub.s32 $0x0, s20;
	[sflag:s22] =	ssyncset.done $0x0  }
0xa0: {  	[sflag:s22] =	ssyncadd.s32 s4;
	_ =	sdelay $0x1  }
0xa1: {  	s23 =	simm.s32 $0x1B8B  }
0xa2: {  	_ =	swait.ge [sflag:s23], $0x1  }
0xa3: {  	[sflag:s23] =	ssyncset.done $0x0  }
0xa4: {  	s25 =	simm.s32 $0x1B8E;
	s24 =	sld [smem:$0x3FFE];
	[sflag:s23] =	ssyncadd.s32 $0xFFFFFFFF  }
0xa5: {  	s26 =	simm.s32 $execute0_lowered;
	[smem:$0x3FD2] =	sst s25  }
0xa6: {  	s5 =	sshll.u32 s26, $0x1;
	_ =	strace $0x80000046;
	[dreg:$0x1] =	wrdreg $0xFFFFFFFF  }
0xa7: {  	s28 =	simm.s32 $_size_execute0_lowered;
	s3 =	sadd.s32 s3, s5;
	[dreg:$0x0] =	wrdreg $0x0  }
0xa8: {  	s5 =	sshll.u32 s28, $0x1;
	[dreg:$0x2] =	wrdreg s3  }
0xa9: {  	[dreg:$0x3] =	wrdreg s5  }
0xaa: {  	[dreg:$0x4] =	wrdreg $0xC0  }
0xab: {  	_ =	task [dreg:s7], $0x5FFFF  }
0xac: {  	[dreg:$0x1] =	wrdreg $0xFFFFFFFF  }
0xad: {  	[dreg:$0x0] =	wrdreg $0x60  }
0xae: {  	[dreg:$0x2] =	wrdreg s24  }
0xaf: {  	[dreg:$0x3] =	wrdreg s2  }
0xb0: {  	[dreg:$0x4] =	wrdreg $0x9  }
0xb1: {  	_ =	task.clear_ibuf [dreg:s7], $0x5FFFF;
	_ =	strace $0x90000046  }
0xb2: {  	s29 =	simm.s32 $0x9;
	_ =	strace $0x80000048  }
0xb3: {  	_ =	swait.ge [sflag:s29], $0x1  }
0xb4: {  	[sflag:s29] =	ssyncadd.s32 $0xFFFFFFFF  }
0xb5: {  	_ =	strace $0x90000048  }
0xb6: {  	_ =	sfence  }
0xb7: {  	s30 =	sld [smem:$0x0];
	_ =	sdelay $0x2  }
0xb8: {  	s31 =	sshll.u32 s1, $0xD;
	s1 =	sshrl.u32 s1, $0x2  }
0xb9: {  	s3 =	sand.u32 $0x4000, s31;
	s1 =	sadd.s32 s1, s30  }
0xba: {  	s0 =	sor.u32 s3, s0;
	s1 =	sshll.u32 s1, $0x11  }
0xbb: {  	s0 =	sor.u32 s1, s0  }
0xbc: {  	s0 =	sadd.s32 $0x8F2B, s0  }
0xbd: {  	[sflag:s0] =	ssyncadd.remote.s32 $0x1  }
0xbe: {  	_ =	sfence.sel $0xFFFF  }
0xbf: {  	[dreg:$0x0] =	wrdreg $0xFFFFFFFF;
	(pc) =	sbr.abs _section_cstart, $3  }
0xc0: {  	[dreg:$0x1] =	wrdreg $0xFFFFFFFF  }
0xc1: {  	_ =	task.clear_ibuf [dreg:s7], $0x2FFFF;
	_ =	strace $0x9FFFFFFF  }
0xc2: {  	(tm) =	ssettm $0x7FFFFFFF  }
0xc3: {  	_ =	shalt  }
tec
execute0_lowered:
.L_overlay_start_1:
0x0: {  	(tag) =	ssettag $0x1  }
0x1: {  	v0 =	vimm.s32 $0xBCAB9A89  }
0x2: {  	v2 =	vimm.s32 $0x34231201;
	v3 =	vimm.s32 $0x78675645;
	vm0 =	vcmask $0x1F10  }
0x3: {  	v57 =	vimm.s32 $0x35241302;
	v5 =	vimm.s32 $0x79685746;
	v58 =	vimm.s32 $0xF2E1D0CF  }
0x4: {  	v59 =	vimm.s32 $0x36251403;
	v6 =	vimm.s32 $0x7A695847;
	v61 =	vimm.s32 $0xBFAE9D8C  }
0x5: {  	v7 =	vimm.s32 $0x7B6A5948;
	v8 =	vimm.s32 $0xB0AF9E8D;
	v9 =	vimm.s32 $0xF4E3D2C1  }
0x6: {  	v10 =	vimm.s32 $0x38271605;
	v11 =	vimm.s32 $0x7C6B5A49;
	v12 =	vimm.s32 $0x7E6D5C4B  }
0x7: {  	v15 =	vimm.s32 $0x73625140;
	v16 =	vimm.s32 $0xB8A79685;
	v17 =	vimm.s32 $0xFCEBDAC9  }
0x8: {  	v18 =	vimm.s32 $0x302F1E0D;
	v19 =	vimm.s32 $0x74635241;
	vm12 =	vcmask $0x300  }
0x9: {  	vm13 =	vcmask $0x704;
	vm14 =	vcmask $0xB08;
	vm11 =	vcmask $0xF0C  }
0xa: {  	vm10 =	vcmask $0x1310;
	vm9 =	vcmask $0x1714;
	vm7 =	vcmask $0x1B18  }
0xb: {  	vm15 =	vcmask $0x1F1C;
	vm1 =	vcmask $0x2320;
	vm2 =	vcmask $0x2724  }
0xc: {  	vm3 =	vcmask $0x2B28;
	vm4 =	vcmask $0x2F2C;
	vm5 =	vcmask $0x3330  }
0xd: {  	vm6 =	vcmask $0x3734;
	vm8 =	vcmask $0x3B38;
	v21 =	vimm.s32 $0x1F5  }
0xe: {  	v24 =	vimm.s32 $0x1F8;
	v27 =	vimm.s32 $0x1FB;
	v30 =	vimm.s32 $0x1FE  }
0xf: {  	v1 =	vunpack.c.0.s8.s32 v0;
	v0 =	vimm.s32 $0xF0EFDECD;
	v2 =	vunpack.c.0.s8.s32 v2  }
0x10: {  	v3 =	vunpack.c.0.s8.s32 v3;
	v5 =	vunpack.c.0.s8.s32 v5;
	v4 =	vunpack.c.0.s8.s32 v0  }
0x11: {  	v60 =	vunpack.c.0.s8.s32 v6;
	v6 =	vimm.s32 $0xF3E2D1C0;
	v7 =	vunpack.c.0.s8.s32 v7  }
0x12: {  	v2 =	vsel vm0, v3, v2;
	v3 =	vimm.s32 $0xBDAC9B8A;
	v1 =	vsel vm0, v4, v1  }
0x13: {  	v1 =	vcombine.low v2, v1;
	v2 =	vunpack.c.0.s8.s32 v3;
	v3 =	vimm.s32 $0xF1E0DFCE  }
0x14: {  	v8 =	vunpack.c.0.s8.s32 v8;
	v9 =	vunpack.c.0.s8.s32 v9;
	v3 =	vunpack.c.0.s8.s32 v3  }
0x15: {  	v10 =	vunpack.c.0.s8.s32 v10;
	v4 =	vunpack.c.0.s8.s32 v57;
	v1 =	vand.u32 $0xFF, v1  }
0x16: {  	v62 =	vunpack.c.0.s8.s32 v6;
	v6 =	vimm.s32 $0x37261504;
	[tilespmem:$0x1FF90] =	vst v1;
	v1 =	vsel vm0, v3, v2  }
0x17: {  	v2 =	vimm.s32 $0xBEAD9C8B;
	v3 =	vsel vm0, v5, v4;
	v4 =	vunpack.c.0.s8.s32 v58  }
0x18: {  	v2 =	vunpack.c.0.s8.s32 v2;
	v1 =	vcombine.low v3, v1;
	v3 =	vunpack.c.0.s8.s32 v59  }
0x19: {  	v11 =	vunpack.c.0.s8.s32 v11;
	v12 =	vunpack.c.0.s8.s32 v12;
	v6 =	vunpack.c.0.s8.s32 v6  }
0x1a: {  	v2 =	vsel vm0, v4, v2;
	v3 =	vsel vm0, v60, v3;
	v4 =	vunpack.c.0.s8.s32 v61  }
0x1b: {  	v15 =	vunpack.c.0.s8.s32 v15;
	v63 =	vsel vm0, v7, v6;
	v2 =	vcombine.low v3, v2  }
0x1c: {  	v6 =	vsel vm0, v9, v8;
	v1 =	vand.u32 $0xFF, v1;
	v3 =	vsel vm0, v62, v4  }
0x1d: {  	v7 =	vsel vm0, v11, v10;
	[tilespmem:$0x1FFA0] =	vst v1;
	v5 =	vcombine.low v63, v3;
	v1 =	vand.u32 $0xFF, v2  }
0x1e: {  	v16 =	vunpack.c.0.s8.s32 v16;
	v8 =	vimm.s32 $0x7D6C5B4A;
	[tilespmem:$0x1FFB0] =	vst v1;
	v1 =	vcombine.low v7, v6  }
0x1f: {  	v9 =	vimm.s32 $0xB2A1908F;
	v10 =	vimm.s32 $0xF6E5D4C3;
	v2 =	vand.u32 $0xFF, v5  }
0x20: {  	v7 =	vimm.s32 $0xF5E4D3C2;
	[tilespmem:$0x1FFC0] =	vst v2;
	v2 =	vimm.s32 $0xB1A09F8E;
	v1 =	vand.u32 $0xFF, v1  }
0x21: {  	[tilespmem:$0x1FFD0] =	vst v1;
	v1 =	vunpack.c.0.s8.s32 v2;
	v2 =	vunpack.c.0.s8.s32 v7;
	v7 =	vimm.s32 $0x39281706  }
0x22: {  	v11 =	vimm.s32 $0x3A291807;
	v8 =	vunpack.c.0.s8.s32 v8;
	v7 =	vunpack.c.0.s8.s32 v7  }
0x23: {  	v9 =	vunpack.c.0.s8.s32 v9;
	v10 =	vunpack.c.0.s8.s32 v10;
	v11 =	vunpack.c.0.s8.s32 v11  }
0x24: {  	v1 =	vsel vm0, v2, v1;
	v2 =	vsel vm0, v8, v7;
	v7 =	vimm.s32 $0xB3A29180  }
0x25: {  	v8 =	vsel vm0, v10, v9;
	v9 =	vsel vm0, v12, v11;
	v10 =	vimm.s32 $0xF7E6D5C4  }
0x26: {  	v11 =	vimm.s32 $0x3B2A1908;
	v12 =	vimm.s32 $0x7F6E5D4C;
	v7 =	vunpack.c.0.s8.s32 v7  }
0x27: {  	v10 =	vunpack.c.0.s8.s32 v10;
	v11 =	vunpack.c.0.s8.s32 v11;
	v12 =	vunpack.c.0.s8.s32 v12  }
0x28: {  	v17 =	vunpack.c.0.s8.s32 v17;
	v1 =	vcombine.low v2, v1;
	v2 =	vcombine.low v9, v8  }
0x29: {  	v8 =	vimm.s32 $0xB4A39281;
	v9 =	vsel vm0, v10, v7;
	v10 =	vsel vm0, v12, v11  }
0x2a: {  	v11 =	vunpack.c.0.s8.s32 v8;
	v7 =	vimm.s32 $0xF8E7D6C5;
	v8 =	vimm.s32 $0x3C2B1A09  }
0x2b: {  	v12 =	vimm.s32 $0x706F5E4D;
	v1 =	vand.u32 $0xFF, v1;
	v13 =	vunpack.c.0.s8.s32 v7  }
0x2c: {  	v14 =	vunpack.c.0.s8.s32 v8;
	v12 =	vunpack.c.0.s8.s32 v12;
	[tilespmem:$0x1FFE0] =	vst v1;
	v1 =	vand.u32 $0xFF, v2  }
0x2d: {  	v18 =	vunpack.c.0.s8.s32 v18;
	v19 =	vunpack.c.0.s8.s32 v19;
	[tilespmem:$0x1FFF0] =	vst v1;
	v1 =	vcombine.low v10, v9  }
0x2e: {  	v10 =	vimm.s32 $0xB5A49382;
	v2 =	vsel vm0, v13, v11;
	v9 =	vsel vm0, v12, v14  }
0x2f: {  	v11 =	vunpack.c.0.s8.s32 v10;
	v2 =	vcombine.low v9, v2;
	v9 =	vimm.s32 $0xF9E8D7C6  }
0x30: {  	v10 =	vimm.s32 $0x3D2C1B0A;
	v13 =	vimm.s32 $0x71605F4E;
	v12 =	vunpack.c.0.s8.s32 v9  }
0x31: {  	v13 =	vunpack.c.0.s8.s32 v13;
	v9 =	vand.u32 $0xFF, v1;
	v1 =	vunpack.c.0.s8.s32 v10  }
0x32: {  	v14 =	vimm.s32 $0x7261504F;
	v10 =	vand.u32 $0xFF, v2;
	v2 =	vsel vm0, v12, v11  }
0x33: {  	v11 =	vimm.s32 $0xB6A59483;
	v1 =	vsel vm0, v13, v1;
	v12 =	vimm.s32 $0xFAE9D8C7  }
0x34: {  	v13 =	vimm.s32 $0x3E2D1C0B;
	v11 =	vunpack.c.0.s8.s32 v11;
	v12 =	vunpack.c.0.s8.s32 v12  }
0x35: {  	v1 =	vcombine.low v1, v2;
	v2 =	vunpack.c.0.s8.s32 v13;
	v13 =	vunpack.c.0.s8.s32 v14  }
0x36: {  	v14 =	vimm.s32 $0xFBEAD9C8;
	v11 =	vsel vm0, v12, v11;
	v12 =	vimm.s32 $0xB7A69584  }
0x37: {  	v2 =	vsel vm0, v13, v2;
	v13 =	vunpack.c.0.s8.s32 v14;
	v14 =	vimm.s32 $0x3F2E1D0C  }
0x38: {  	v21 =	vsel vm12, $0x106, v21;
	v12 =	vunpack.c.0.s8.s32 v12;
	v14 =	vunpack.c.0.s8.s32 v14  }
0x39: {  	v24 =	vsel vm12, $0x109, v24;
	v27 =	vsel vm12, $0x10C, v27;
	v2 =	vcombine.low v2, v11  }
0x3a: {  	v11 =	vsel vm0, v13, v12;
	v12 =	vsel vm0, v15, v14;
	v13 =	vsel vm0, v17, v16  }
0x3b: {  	v14 =	vsel vm0, v19, v18;
	v15 =	vimm.s32 $0xB9A89786;
	v16 =	vcombine.low v12, v11  }
0x3c: {  	v14 =	vcombine.low v14, v13;
	v15 =	vunpack.c.0.s8.s32 v15;
	v11 =	vimm.s32 $0xFDECDBCA  }
0x3d: {  	v12 =	vimm.s32 $0x31201F0E;
	v13 =	vimm.s32 $0x75645342;
	v17 =	vunpack.c.0.s8.s32 v11  }
0x3e: {  	v18 =	vunpack.c.0.s8.s32 v12;
	v19 =	vunpack.c.0.s8.s32 v13;
	v11 =	vand.u32 $0xFF, v1  }
0x3f: {  	v12 =	vand.u32 $0xFF, v2;
	v13 =	vand.u32 $0xFF, v16;
	v16 =	vimm.s32 $0x3221100F  }
0x40: {  	v1 =	vsel vm0, v17, v15;
	v2 =	vsel vm0, v19, v18;
	v15 =	vimm.s32 $0xFEEDDCCB  }
0x41: {  	v16 =	vunpack.c.0.s8.s32 v16;
	v17 =	vimm.s32 $0x1F0;
	v18 =	vimm.s32 $0x76655443  }
0x42: {  	v1 =	vcombine.low v2, v1;
	v2 =	vimm.s32 $0xBAA99887;
	v15 =	vunpack.c.0.s8.s32 v15  }
0x43: {  	v17 =	vsel vm12, $0x101, v17;
	v18 =	vunpack.c.0.s8.s32 v18;
	v2 =	vunpack.c.0.s8.s32 v2  }
0x44: {  	v30 =	vsel vm12, $0x10F, v30;
	v0 =	vlaneseq.u32;
	v17 =	vsel vm13, $0x112, v17  }
0x45: {  	v16 =	vsel vm0, v18, v16;
	v2 =	vsel vm0, v15, v2;
	v15 =	vsel vm14, $0x123, v17  }
0x46: {  	v18 =	vimm.s32 $0x1F2;
	v15 =	vsel vm11, $0x134, v15;
	v2 =	vcombine.low v16, v2  }
0x47: {  	v18 =	vsel vm12, $0x103, v18;
	v16 =	vsel vm10, $0x145, v15;
	v15 =	vand.u32 $0xFF, v1  }
0x48: {  	v1 =	vsel vm9, $0x156, v16;
	v16 =	vand.u32 $0xFF, v2;
	v2 =	vimm.s32 $0x1F1  }
0x49: {  	v21 =	vsel vm13, $0x117, v21;
	v18 =	vsel vm13, $0x114, v18;
	v2 =	vsel vm12, $0x102, v2  }
0x4a: {  	v24 =	vsel vm13, $0x11A, v24;
	v18 =	vsel vm14, $0x125, v18;
	v2 =	vsel vm13, $0x113, v2  }
0x4b: {  	v20 =	vmul.u32 $0x11, v0;
	v18 =	vsel vm11, $0x136, v18;
	v2 =	vsel vm14, $0x124, v2  }
0x4c: {  	v27 =	vsel vm13, $0x11D, v27;
	v18 =	vsel vm10, $0x147, v18;
	v2 =	vsel vm11, $0x135, v2  }
0x4d: {  	v17 =	vor.u32 $0x100, v20;
	v18 =	vsel vm9, $0x158, v18;
	v2 =	vsel vm10, $0x146, v2  }
0x4e: {  	v1 =	vsel vm7, $0x167, v1;
	v18 =	vsel vm7, $0x169, v18;
	v2 =	vsel vm9, $0x157, v2  }
0x4f: {  	v1 =	vsel vm15, $0x178, v1;
	v18 =	vsel vm15, $0x17A, v18;
	v2 =	vsel vm7, $0x168, v2  }
0x50: {  	v1 =	vsel vm1, $0x189, v1;
	v18 =	vsel vm1, $0x18B, v18;
	v2 =	vsel vm15, $0x179, v2  }
0x51: {  	v1 =	vsel vm2, $0x19A, v1;
	v18 =	vsel vm2, $0x19C, v18;
	v2 =	vsel vm1, $0x18A, v2  }
0x52: {  	v1 =	vsel vm3, $0x1AB, v1;
	v18 =	vsel vm3, $0x1AD, v18;
	v2 =	vsel vm2, $0x19B, v2  }
0x53: {  	v1 =	vsel vm4, $0x1BC, v1;
	v18 =	vsel vm4, $0x1BE, v18;
	v2 =	vsel vm3, $0x1AC, v2  }
0x54: {  	v1 =	vsel vm5, $0x1CD, v1;
	v18 =	vsel vm5, $0x1CF, v18;
	v2 =	vsel vm4, $0x1BD, v2  }
0x55: {  	v8 =	vmovc v20;
	v1 =	vsel vm6, $0x1DE, v1;
	v20 =	vsel vm6, $0x1D0, v18;
	v2 =	vsel vm5, $0x1CE, v2  }
0x56: {  	v18 =	vsel vm8, $0x1EF, v1;
	v1 =	vimm.s32 $0x1F3;
	v2 =	vsel vm6, $0x1DF, v2  }
0x57: {  	v1 =	vsel vm12, $0x104, v1;
	v19 =	vsel vm8, $0x1E0, v2;
	v2 =	vimm.s32 $0x1F4  }
0x58: {  	v30 =	vsel vm13, $0x110, v30;
	v1 =	vsel vm13, $0x115, v1;
	v2 =	vsel vm12, $0x105, v2  }
0x59: {  	v21 =	vsel vm14, $0x128, v21;
	v1 =	vsel vm14, $0x126, v1;
	v2 =	vsel vm13, $0x116, v2  }
0x5a: {  	v21 =	vsel vm11, $0x139, v21;
	v1 =	vsel vm11, $0x137, v1;
	v2 =	vsel vm14, $0x127, v2  }
0x5b: {  	v21 =	vsel vm10, $0x14A, v21;
	v1 =	vsel vm10, $0x148, v1;
	v2 =	vsel vm11, $0x138, v2  }
0x5c: {  	v21 =	vsel vm9, $0x15B, v21;
	v1 =	vsel vm9, $0x159, v1;
	v2 =	vsel vm10, $0x149, v2  }
0x5d: {  	v21 =	vsel vm7, $0x16C, v21;
	v1 =	vsel vm7, $0x16A, v1;
	v2 =	vsel vm9, $0x15A, v2  }
0x5e: {  	v21 =	vsel vm15, $0x17D, v21;
	v1 =	vsel vm15, $0x17B, v1;
	v2 =	vsel vm7, $0x16B, v2  }
0x5f: {  	v21 =	vsel vm1, $0x18E, v21;
	v1 =	vsel vm1, $0x18C, v1;
	v2 =	vsel vm15, $0x17C, v2  }
0x60: {  	v21 =	vsel vm2, $0x19F, v21;
	v1 =	vsel vm2, $0x19D, v1;
	v2 =	vsel vm1, $0x18D, v2  }
0x61: {  	v21 =	vsel vm3, $0x1A0, v21;
	v1 =	vsel vm3, $0x1AE, v1;
	v2 =	vsel vm2, $0x19E, v2  }
0x62: {  	v21 =	vsel vm4, $0x1B1, v21;
	v1 =	vsel vm4, $0x1BF, v1;
	v2 =	vsel vm3, $0x1AF, v2  }
0x63: {  	v21 =	vsel vm5, $0x1C2, v21;
	v1 =	vsel vm5, $0x1C0, v1;
	v2 =	vsel vm4, $0x1B0, v2  }
0x64: {  	v23 =	vsel vm6, $0x1D3, v21;
	v1 =	vsel vm6, $0x1D1, v1;
	v2 =	vsel vm5, $0x1C1, v2  }
0x65: {  	v21 =	vsel vm8, $0x1E2, v1;
	v1 =	vimm.s32 $0x1F6;
	v2 =	vsel vm6, $0x1D2, v2  }
0x66: {  	v1 =	vsel vm12, $0x107, v1;
	v22 =	vsel vm8, $0x1E3, v2;
	v2 =	vimm.s32 $0x1F7  }
0x67: {  	v24 =	vsel vm14, $0x12B, v24;
	v1 =	vsel vm13, $0x118, v1;
	v2 =	vsel vm12, $0x108, v2  }
0x68: {  	v27 =	vsel vm14, $0x12E, v27;
	v1 =	vsel vm14, $0x129, v1;
	v2 =	vsel vm13, $0x119, v2  }
0x69: {  	v24 =	vsel vm11, $0x13C, v24;
	v1 =	vsel vm11, $0x13A, v1;
	v2 =	vsel vm14, $0x12A, v2  }
0x6a: {  	v24 =	vsel vm10, $0x14D, v24;
	v1 =	vsel vm10, $0x14B, v1;
	v2 =	vsel vm11, $0x13B, v2  }
0x6b: {  	v24 =	vsel vm9, $0x15E, v24;
	v1 =	vsel vm9, $0x15C, v1;
	v2 =	vsel vm10, $0x14C, v2  }
0x6c: {  	v24 =	vsel vm7, $0x16F, v24;
	v1 =	vsel vm7, $0x16D, v1;
	v2 =	vsel vm9, $0x15D, v2  }
0x6d: {  	v24 =	vsel vm15, $0x170, v24;
	v1 =	vsel vm15, $0x17E, v1;
	v2 =	vsel vm7, $0x16E, v2  }
0x6e: {  	v24 =	vsel vm1, $0x181, v24;
	v1 =	vsel vm1, $0x18F, v1;
	v2 =	vsel vm15, $0x17F, v2  }
0x6f: {  	v24 =	vsel vm2, $0x192, v24;
	v1 =	vsel vm2, $0x190, v1;
	v2 =	vsel vm1, $0x180, v2  }
0x70: {  	v24 =	vsel vm3, $0x1A3, v24;
	v1 =	vsel vm3, $0x1A1, v1;
	v2 =	vsel vm2, $0x191, v2  }
0x71: {  	v24 =	vsel vm4, $0x1B4, v24;
	v1 =	vsel vm4, $0x1B2, v1;
	v2 =	vsel vm3, $0x1A2, v2  }
0x72: {  	v24 =	vsel vm5, $0x1C5, v24;
	v1 =	vsel vm5, $0x1C3, v1;
	v2 =	vsel vm4, $0x1B3, v2  }
0x73: {  	v26 =	vsel vm6, $0x1D6, v24;
	v1 =	vsel vm6, $0x1D4, v1;
	v2 =	vsel vm5, $0x1C4, v2  }
0x74: {  	v24 =	vsel vm8, $0x1E5, v1;
	v1 =	vimm.s32 $0x1F9;
	v2 =	vsel vm6, $0x1D5, v2  }
0x75: {  	v1 =	vsel vm12, $0x10A, v1;
	v25 =	vsel vm8, $0x1E6, v2;
	v2 =	vimm.s32 $0x1FA  }
0x76: {  	v30 =	vsel vm14, $0x121, v30;
	v1 =	vsel vm13, $0x11B, v1;
	v2 =	vsel vm12, $0x10B, v2  }
0x77: {  	v27 =	vsel vm11, $0x13F, v27;
	v1 =	vsel vm14, $0x12C, v1;
	v2 =	vsel vm13, $0x11C, v2  }
0x78: {  	v30 =	vsel vm11, $0x132, v30;
	v1 =	vsel vm11, $0x13D, v1;
	v2 =	vsel vm14, $0x12D, v2  }
0x79: {  	v27 =	vsel vm10, $0x140, v27;
	v1 =	vsel vm10, $0x14E, v1;
	v2 =	vsel vm11, $0x13E, v2  }
0x7a: {  	v30 =	vsel vm10, $0x143, v30;
	v1 =	vsel vm9, $0x15F, v1;
	v2 =	vsel vm10, $0x14F, v2  }
0x7b: {  	v27 =	vsel vm9, $0x151, v27;
	v1 =	vsel vm7, $0x160, v1;
	v2 =	vsel vm9, $0x150, v2  }
0x7c: {  	v27 =	vsel vm7, $0x162, v27;
	v1 =	vsel vm15, $0x171, v1;
	v2 =	vsel vm7, $0x161, v2  }
0x7d: {  	v27 =	vsel vm15, $0x173, v27;
	v1 =	vsel vm1, $0x182, v1;
	v2 =	vsel vm15, $0x172, v2  }
0x7e: {  	v27 =	vsel vm1, $0x184, v27;
	v1 =	vsel vm2, $0x193, v1;
	v2 =	vsel vm1, $0x183, v2  }
0x7f: {  	v27 =	vsel vm2, $0x195, v27;
	v1 =	vsel vm3, $0x1A4, v1;
	v2 =	vsel vm2, $0x194, v2  }
0x80: {  	v27 =	vsel vm3, $0x1A6, v27;
	v1 =	vsel vm4, $0x1B5, v1;
	v2 =	vsel vm3, $0x1A5, v2  }
0x81: {  	v27 =	vsel vm4, $0x1B7, v27;
	v1 =	vsel vm5, $0x1C6, v1;
	v2 =	vsel vm4, $0x1B6, v2  }
0x82: {  	v27 =	vsel vm5, $0x1C8, v27;
	v1 =	vsel vm6, $0x1D7, v1;
	v2 =	vsel vm5, $0x1C7, v2  }
0x83: {  	v29 =	vsel vm6, $0x1D9, v27;
	v27 =	vsel vm8, $0x1E8, v1;
	v2 =	vsel vm6, $0x1D8, v2  }
0x84: {  	v1 =	vimm.s32 $0x1FC;
	v28 =	vsel vm8, $0x1E9, v2;
	v2 =	vimm.s32 $0x1FD  }
0x85: {  	v30 =	vsel vm9, $0x154, v30;
	v1 =	vsel vm12, $0x10D, v1;
	v2 =	vsel vm12, $0x10E, v2  }
0x86: {  	v30 =	vsel vm7, $0x165, v30;
	v1 =	vsel vm13, $0x11E, v1;
	v2 =	vsel vm13, $0x11F, v2  }
0x87: {  	v30 =	vsel vm15, $0x176, v30;
	v1 =	vsel vm14, $0x12F, v1;
	v2 =	vsel vm14, $0x120, v2  }
0x88: {  	s3 =	rddreg [dreg:$0x0];
	v30 =	vsel vm1, $0x187, v30;
	v1 =	vsel vm11, $0x130, v1;
	v2 =	vsel vm11, $0x131, v2  }
0x89: {  	s6 =	rddreg [dreg:$0x1];
	s2 =	srdreg.scid;
	v30 =	vsel vm2, $0x198, v30;
	v1 =	vsel vm10, $0x141, v1;
	v2 =	vsel vm10, $0x142, v2  }
0x8a: {  	s0 =	rddreg [dreg:$0x2];
	s1 =	stileid.u32;
	v30 =	vsel vm3, $0x1A9, v30;
	v1 =	vsel vm9, $0x152, v1;
	v2 =	vsel vm9, $0x153, v2  }
0x8b: {  	s10 =	simm.s32 $0x1;
	s11 =	simm.s32 $0x2;
	s12 =	simm.s32 $0x2800;
	v30 =	vsel vm4, $0x1BA, v30;
	v1 =	vsel vm7, $0x163, v1;
	v2 =	vsel vm7, $0x164, v2  }
0x8c: {  	s13 =	simm.s32 $0x3;
	s14 =	simm.s32 $0x2A00;
	s15 =	simm.s32 $0x4;
	v30 =	vsel vm5, $0x1CB, v30;
	v1 =	vsel vm15, $0x174, v1;
	v2 =	vsel vm15, $0x175, v2  }
0x8d: {  	s16 =	simm.s32 $0x0;
	s4 =	sand.u32 $0x1, s2;
	s2 =	simm.s32 $0x0;
	v32 =	vsel vm6, $0x1DC, v30;
	v1 =	vsel vm1, $0x185, v1;
	v2 =	vsel vm1, $0x186, v2  }
0x8e: {  	s5 =	sshll.u32 s1, $0x6;
	s7 =	sshll.u32 s4, $0x5;
	s4 =	ssub.s32 $0x2, s4;
	v23 =	vsel vm8, $0x1E4, v23;
	v1 =	vsel vm2, $0x196, v1;
	v2 =	vsel vm2, $0x197, v2  }
0x8f: {  	[smem:$0x7FF] =	sst s2;
	s5 =	sor.u32 s7, s5;
	s8 =	sshrl.u32 s4, $0x1;
	v26 =	vsel vm8, $0x1E7, v26;
	v1 =	vsel vm3, $0x1A7, v1;
	v2 =	vsel vm3, $0x1A8, v2  }
0x90: {  	s7 =	sshll.u32 s5, $0x5;
	s8 =	ssub.s32 s4, s8;
	s9 =	sshrl.u32 s5, $0x3;
	v29 =	vsel vm8, $0x1EA, v29;
	v1 =	vsel vm4, $0x1B8, v1;
	v2 =	vsel vm4, $0x1B9, v2  }
0x91: {  	s7 =	sadd.s32 s7, s3;
	s3 =	sadd.s32 $0x8600, s3;
	s6 =	sadd.s32 s6, s9;
	v32 =	vsel vm8, $0x1ED, v32;
	v1 =	vsel vm5, $0x1C9, v1;
	v2 =	vsel vm5, $0x1CA, v2  }
0x92: {  	s9 =	simm.s32 $0x1000;
	s4 =	sadd.s32 $0x600, s7;
	s5 =	sadd.s32 $0x800, s7;
	v14 =	vand.u32 $0xFF, v14;
	v1 =	vsel vm6, $0x1DA, v1;
	v2 =	vsel vm6, $0x1DB, v2  }
0x93: {  	s7 =	smax.u32 s8, $0x1;
	s8 =	simm.s32 $0x2000;
	_ =	strace $0x80000047;
	v20 =	vsel vm8, $0x1E1, v20;
	v30 =	vsel vm8, $0x1EB, v1;
	v31 =	vsel vm8, $0x1EC, v2  }
.LBB2_1:
0x94: {  	[tilespmem:s8], [sflag:$0x1] =	stream.linear.gather [hbm4b:s3+s2], $0x800, $0x38;
	[tilespmem:$0x2A80] =	vst v63  }
0x95: {  	_ = 	snop  }
0x96: {  	[tilespmem:s2], [sflag:$0x2] =	stream.linear.gather [hbm4b:s4+s2], $0x1000, $0x38;
	[tilespmem:$0x2A80] =	vst v63  }
0x97: {  	_ = 	snop  }
0x98: {  	[tilespmem:s9], [sflag:$0x3] =	stream.linear.gather [hbm4b:s5+s2], $0x1000, $0x38;
	[tilespmem:$0x2A80] =	vst v63  }
0x99: {  	_ =	swait.ge [sflag:s10], $0x800  }
0x9a: {  	[sflag:s10] =	ssyncset.done $0x0  }
0x9b: {  	[sflag:s10] =	ssyncadd.s32 $0xFFFFF800  }
0x9c: {  	_ =	swait.ge [sflag:s11], $0x1000  }
0x9d: {  	s17 =	sand.u32 $0x800, s2;
	s18 =	sand.u32 $0x380, s2;
	[sflag:s11] =	ssyncset.done $0x0  }
0x9e: {  	s17 =	sor.u32 s18, s17;
	[sflag:s11] =	ssyncadd.s32 $0xFFFFF000  }
0x9f: {  	v1 =	vld [tilespmem:s17+$0x470]  }
0xa0: {  	v2 =	vld [tilespmem:s17+$0x50]  }
0xa1: {  	v34 =	vld [tilespmem:s17+$0x40]  }
0xa2: {  	v35 =	vld [tilespmem:s17+$0x20]  }
0xa3: {  	v37 =	vld [tilespmem:s17+$0x460]  }
0xa4: {  	v53 =	vld [tilespmem:s17+$0x410]  }
0xa5: {  	v38 =	vld [tilespmem:s17+$0x420]  }
0xa6: {  	v39 =	vld [tilespmem:s17+$0x60]  }
0xa7: {  	v42 =	vld [tilespmem:s17+$0x30]  }
0xa8: {  	v40 =	vld [tilespmem:s17+$0x0]  }
0xa9: {  	v45 =	vld [tilespmem:s17+$0x400]  }
0xaa: {  	v51 =	vld [tilespmem:s17+$0x10];
	v36 =	vunpack.i.l.s16.s32 v34  }
0xab: {  	v54 =	vld [tilespmem:s17+$0x70];
	v43 =	vunpack.i.l.s16.s32 v35  }
0xac: {  	v33 =	vmov s2;
	v55 =	vld [tilespmem:s17+$0x450];
	v44 =	vunpack.i.l.s16.s32 v39  }
0xad: {  	v33 =	vand.u32 $0xFFFFFFF0, v33;
	v57 =	vld [tilespmem:s17+$0x430];
	v46 =	vunpack.i.l.s16.s32 v1  }
0xae: {  	v33 =	vbroadcast v33, $0x0;
	v4 =	vld [tilespmem:s17+$0x440];
	v56 =	vunpack.i.u.s16.s32 v38  }
0xaf: {  	v47 =	vunpack.i.u.s16.s32 v34;
	v58 =	vunpack.i.u.s16.s32 v40;
	v34 =	vunpack.i.u.s16.s32 v37;
	v41 =	vld.idx.msk [tilespmem:v36+s8+$0x0], $0xffff  }
0xb0: {  	v59 =	vunpack.i.u.s16.s32 v35;
	v48 =	vunpack.i.u.s16.s32 v39;
	v39 =	vunpack.i.l.s16.s32 v38;
	v49 =	vld.idx.msk [tilespmem:v43+s8+$0x0], $0xffff  }
0xb1: {  	v3 =	vunpack.i.l.s16.s32 v40;
	v35 =	vunpack.i.u.s16.s32 v1;
	v50 =	vunpack.i.u.s16.s32 v2;
	v44 =	vld.idx.msk [tilespmem:v44+s8+$0x0], $0xffff  }
0xb2: {  	v5 =	vunpack.i.l.s16.s32 v45;
	v63 =	vunpack.i.u.s16.s32 v42;
	v36 =	vunpack.i.l.s16.s32 v37;
	v37 =	vld.idx.msk [tilespmem:v46+s8+$0x0], $0xffff  }
0xb3: {  	v52 =	vunpack.i.u.s16.s32 v45;
	v62 =	vunpack.i.l.s16.s32 v42;
	v60 =	vunpack.i.l.s16.s32 v51;
	v40 =	vld.idx.msk [tilespmem:v56+s8+$0x0], $0xffff  }
0xb4: {  	v38 =	vunpack.i.u.s16.s32 v55;
	v42 =	vunpack.i.l.s16.s32 v55;
	v45 =	vunpack.i.u.s16.s32 v57;
	v61 =	vld.idx.msk [tilespmem:v58+s8+$0x0], $0xffff  }
0xb5: {  	v55 =	vunpack.i.u.s16.s32 v53;
	v1 =	vunpack.i.u.s16.s32 v4;
	v43 =	vunpack.i.l.s16.s32 v53;
	v59 =	vld.idx.msk [tilespmem:v59+s8+$0x0], $0xffff  }
0xb6: {  	s19 =	simm.s32 $0x0;
	s20 =	simm.s32 $0x0;
	v46 =	vunpack.i.l.s16.s32 v2;
	v56 =	vunpack.i.u.s16.s32 v51;
	v58 =	vunpack.i.u.s16.s32 v54;
	v2 =	vld.idx.msk [tilespmem:v3+s8+$0x0], $0xffff  }
0xb7: {  	s21 =	simm.s32 $0x0;
	s18 =	simm.s32 $0x1;
	s17 =	simm.s32 $0x0;
	v54 =	vunpack.i.l.s16.s32 v54;
	v51 =	vunpack.i.l.s16.s32 v57;
	v57 =	vunpack.i.l.s16.s32 v4;
	v53 =	vld.idx.msk [tilespmem:v5+s8+$0x0], $0xffff  }
.LBB2_2:
0xb8: {  	v3 =	vld.idx.msk [tilespmem:v63+s8+$0x0], $0xffff;
	s19 =	sadd.s32 $0x10, s19;
	s20 =	sadd.s32 $0x80, s20;
	s21 =	sadd.s32 $0x100, s21  }
0xb9: {  	p0 =	sne.s32 s18, $0xF;
	s23 =	smov.u32 s18;
	s18 =	sadd.s32 $0x1, s18;
	v4 =	vmov s19;
	v5 =	vld.idx.msk [tilespmem:v47+s8+$0x0], $0xffff  }
0xba: {  	v4 =	vand.u32 $0xFFFFFFF0, v4;
	v47 =	vld.idx.msk [tilespmem:v62+s8+$0x0], $0xffff  }
0xbb: {  	v4 =	vbroadcast v4, $0x0;
	v1 =	vld.idx.msk [tilespmem:v1+s8+$0x0], $0xffff  }
0xbc: {  	v2 =	vadd.f32 $0.0e+00, v2;
	v60 =	vld.idx.msk [tilespmem:v60+s8+$0x0], $0xffff  }
0xbd: {  	v48 =	vld.idx.msk [tilespmem:v48+s8+$0x0], $0xffff  }
0xbe: {  	v61 =	vadd.f32 $0.0e+00, v61;
	v2 =	vadd.f32 v49, v2;
	v49 =	vld.idx.msk [tilespmem:v58+s8+$0x0], $0xffff  }
0xbf: {  	v56 =	vld.idx.msk [tilespmem:v56+s8+$0x0], $0xffff  }
0xc0: {  	v58 =	vadd.f32 v59, v61;
	v2 =	vadd.f32 v41, v2;
	v41 =	vld.idx.msk [tilespmem:v50+s8+$0x0], $0xffff  }
0xc1: {  	v50 =	vld.idx.msk [tilespmem:v52+s8+$0x0], $0xffff  }
0xc2: {  	v5 =	vadd.f32 v5, v58;
	v2 =	vadd.f32 v44, v2;
	v43 =	vld.idx.msk [tilespmem:v43+s8+$0x0], $0xffff  }
0xc3: {  	v44 =	vadd.f32 $0.0e+00, v60;
	v46 =	vld.idx.msk [tilespmem:v46+s8+$0x0], $0xffff  }
0xc4: {  	v5 =	vadd.f32 v48, v5;
	v48 =	vld.idx.msk [tilespmem:v54+s8+$0x0], $0xffff  }
0xc5: {  	v44 =	vadd.f32 v47, v44;
	v52 =	vadd.f32 $0.0e+00, v56;
	v39 =	vld.idx.msk [tilespmem:v39+s8+$0x0], $0xffff  }
0xc6: {  	v47 =	vld.idx.msk [tilespmem:v57+s8+$0x0], $0xffff  }
0xc7: {  	v3 =	vadd.f32 v3, v52;
	v5 =	vadd.f32 v50, v5;
	v50 =	vld.idx.msk [tilespmem:v55+s8+$0x0], $0xffff  }
0xc8: {  	v51 =	vld.idx.msk [tilespmem:v51+s8+$0x0], $0xffff  }
0xc9: {  	v2 =	vadd.f32 v53, v2;
	v44 =	vadd.f32 v46, v44;
	v36 =	vld.idx.msk [tilespmem:v36+s8+$0x0], $0xffff  }
0xca: {  	v3 =	vadd.f32 v41, v3;
	v5 =	vadd.f32 v40, v5;
	v40 =	vld.idx.msk [tilespmem:v45+s8+$0x0], $0xffff  }
0xcb: {  	v41 =	vadd.f32 v48, v44;
	v2 =	vadd.f32 v39, v2;
	v39 =	vld.idx.msk [tilespmem:v42+s8+$0x0], $0xffff  }
0xcc: {  	v3 =	vadd.f32 v49, v3;
	v1 =	vadd.f32 v1, v5;
	v5 =	vld.idx.msk [tilespmem:v38+s8+$0x0], $0xffff  }
0xcd: {  	v38 =	vadd.f32 v43, v41;
	v2 =	vadd.f32 v47, v2;
	v34 =	vld.idx.msk [tilespmem:v34+s8+$0x0], $0xffff  }
0xce: {  	s22 =	sand.u32 $0x800, s21;
	s24 =	sand.u32 $0x380, s20;
	v3 =	vadd.f32 v50, v3;
	v35 =	vld.idx.msk [tilespmem:v35+s8+$0x0], $0xffff  }
0xcf: {  	s22 =	sor.u32 s24, s22;
	v38 =	vadd.f32 v51, v38;
	v2 =	vadd.f32 v36, v2  }
0xd0: {  	v3 =	vadd.f32 v40, v3  }
0xd1: {  	v36 =	vadd.f32 v39, v38  }
0xd2: {  	v3 =	vadd.f32 v5, v3  }
0xd3: {  	v5 =	vadd.f32 v37, v36;
	v36 =	vadd.s32 s17, v0;
	s17 =	smov.u32 s23  }
0xd4: {  	v1 =	vadd.f32 v34, v1;
	v3 =	vadd.f32 v35, v3;
	v34 =	vand.u32 $0xF, v36  }
0xd5: {  	v34 =	vor.u32 v34, v33;
	v33 =	vmov v4  }
0xd6: {  	v1 =	vadd.f32 v1, v2;
	v2 =	vadd.f32 v3, v5;
	_ =	sdelay $0x1  }
0xd7: {  	v1 =	vadd.f32 v2, v1;
	_ =	sdelay $0x1  }
0xd8: {  	[tilespmem:v34+s12+$0x0] =	vst.idx.msk $0xffff, v1  }
0xd9: {  	v1 =	vld [tilespmem:s22+$0x470]  }
0xda: {  	v2 =	vld [tilespmem:s22+$0x50]  }
0xdb: {  	v3 =	vld [tilespmem:s22+$0x40]  }
0xdc: {  	v4 =	vld [tilespmem:s22+$0x20]  }
0xdd: {  	v5 =	vld [tilespmem:s22+$0x460]  }
0xde: {  	v40 =	vld [tilespmem:s22+$0x410]  }
0xdf: {  	v35 =	vld [tilespmem:s22+$0x420]  }
0xe0: {  	v37 =	vld [tilespmem:s22+$0x60]  }
0xe1: {  	v38 =	vld [tilespmem:s22+$0x30]  }
0xe2: {  	v47 =	vunpack.i.u.s16.s32 v3;
	v3 =	vunpack.i.l.s16.s32 v3;
	v42 =	vld [tilespmem:s22+$0x0];
	v36 =	vunpack.i.l.s16.s32 v5  }
0xe3: {  	v34 =	vunpack.i.u.s16.s32 v5;
	v44 =	vld [tilespmem:s22+$0x400]  }
0xe4: {  	v53 =	vunpack.i.u.s16.s32 v4;
	v4 =	vunpack.i.l.s16.s32 v4;
	v5 =	vld [tilespmem:s22+$0x10]  }
0xe5: {  	v43 =	vunpack.i.l.s16.s32 v40;
	v48 =	vunpack.i.u.s16.s32 v37;
	v37 =	vunpack.i.l.s16.s32 v37;
	v45 =	vld [tilespmem:s22+$0x70]  }
0xe6: {  	v57 =	vunpack.i.u.s16.s32 v35;
	v39 =	vunpack.i.l.s16.s32 v35;
	v35 =	vunpack.i.u.s16.s32 v1;
	v51 =	vld [tilespmem:s22+$0x450]  }
0xe7: {  	v50 =	vunpack.i.u.s16.s32 v2;
	v46 =	vunpack.i.l.s16.s32 v2;
	v1 =	vunpack.i.l.s16.s32 v1;
	v2 =	vld [tilespmem:s22+$0x430]  }
0xe8: {  	v63 =	vunpack.i.u.s16.s32 v38;
	v41 =	vld.idx.msk [tilespmem:v3+s8+$0x0], $0xffff;
	v52 =	vunpack.i.u.s16.s32 v44;
	v3 =	vunpack.i.l.s16.s32 v44  }
0xe9: {  	v62 =	vunpack.i.l.s16.s32 v38;
	v59 =	vunpack.i.u.s16.s32 v42;
	v56 =	vunpack.i.u.s16.s32 v5;
	v49 =	vld.idx.msk [tilespmem:v4+s8+$0x0], $0xffff  }
0xea: {  	v60 =	vunpack.i.l.s16.s32 v5;
	v44 =	vld.idx.msk [tilespmem:v37+s8+$0x0], $0xffff;
	v58 =	vunpack.i.u.s16.s32 v45;
	v54 =	vunpack.i.l.s16.s32 v45  }
0xeb: {  	v4 =	vunpack.i.l.s16.s32 v42;
	v5 =	vld [tilespmem:s22+$0x440];
	v38 =	vunpack.i.u.s16.s32 v51;
	v42 =	vunpack.i.l.s16.s32 v51  }
0xec: {  	v45 =	vunpack.i.u.s16.s32 v2;
	v51 =	vunpack.i.l.s16.s32 v2;
	v37 =	vld.idx.msk [tilespmem:v1+s8+$0x0], $0xffff  }
.Ltmp0:
0xed: {  	v55 =	vunpack.i.u.s16.s32 v40;
	v40 =	vld.idx.msk [tilespmem:v57+s8+$0x0], $0xffff;
	(pc) =	sbr.rel @p0 .LBB2_2-.Ltmp0, $4  }
0xee: {  	v61 =	vld.idx.msk [tilespmem:v59+s8+$0x0], $0xffff  }
0xef: {  	v59 =	vld.idx.msk [tilespmem:v53+s8+$0x0], $0xffff  }
0xf0: {  	v2 =	vld.idx.msk [tilespmem:v4+s8+$0x0], $0xffff;
	v1 =	vunpack.i.u.s16.s32 v5;
	v57 =	vunpack.i.l.s16.s32 v5  }
0xf1: {  	v53 =	vld.idx.msk [tilespmem:v3+s8+$0x0], $0xffff  }
0xf2: {  	_ =	sdelay $0x3  }
0xf3: {  	v3 =	vld.idx.msk [tilespmem:v63+s8+$0x0], $0xffff  }
0xf4: {  	v4 =	vld.idx.msk [tilespmem:v47+s8+$0x0], $0xffff  }
0xf5: {  	v5 =	vld.idx.msk [tilespmem:v62+s8+$0x0], $0xffff  }
0xf6: {  	v1 =	vld.idx.msk [tilespmem:v1+s8+$0x0], $0xffff  }
0xf7: {  	v60 =	vld.idx.msk [tilespmem:v60+s8+$0x0], $0xffff  }
0xf8: {  	v48 =	vld.idx.msk [tilespmem:v48+s8+$0x0], $0xffff  }
0xf9: {  	v58 =	vld.idx.msk [tilespmem:v58+s8+$0x0], $0xffff  }
0xfa: {  	v56 =	vld.idx.msk [tilespmem:v56+s8+$0x0], $0xffff  }
0xfb: {  	v50 =	vld.idx.msk [tilespmem:v50+s8+$0x0], $0xffff  }
0xfc: {  	v52 =	vld.idx.msk [tilespmem:v52+s8+$0x0], $0xffff  }
0xfd: {  	v43 =	vld.idx.msk [tilespmem:v43+s8+$0x0], $0xffff  }
0xfe: {  	v46 =	vld.idx.msk [tilespmem:v46+s8+$0x0], $0xffff  }
0xff: {  	v54 =	vld.idx.msk [tilespmem:v54+s8+$0x0], $0xffff;
	v2 =	vadd.f32 $0.0e+00, v2;
	v47 =	vadd.f32 $0.0e+00, v60  }
0x100: {  	v39 =	vld.idx.msk [tilespmem:v39+s8+$0x0], $0xffff;
	v60 =	vadd.f32 $0.0e+00, v61;
	v56 =	vadd.f32 $0.0e+00, v56  }
0x101: {  	v55 =	vld.idx.msk [tilespmem:v55+s8+$0x0], $0xffff;
	v2 =	vadd.f32 v49, v2;
	v5 =	vadd.f32 v5, v47  }
0x102: {  	v63 =	vld.idx.msk [tilespmem:v51+s8+$0x0], $0xffff;
	v62 =	vadd.f32 v59, v60;
	v3 =	vadd.f32 v3, v56  }
0x103: {  	v36 =	vld.idx.msk [tilespmem:v36+s8+$0x0], $0xffff;
	v2 =	vadd.f32 v41, v2;
	v5 =	vadd.f32 v46, v5  }
0x104: {  	v51 =	vld.idx.msk [tilespmem:v45+s8+$0x0], $0xffff;
	v4 =	vadd.f32 v4, v62;
	v3 =	vadd.f32 v50, v3  }
0x105: {  	v42 =	vld.idx.msk [tilespmem:v42+s8+$0x0], $0xffff;
	v2 =	vadd.f32 v44, v2;
	v5 =	vadd.f32 v54, v5  }
0x106: {  	v61 =	vld.idx.msk [tilespmem:v57+s8+$0x0], $0xffff;
	v4 =	vadd.f32 v48, v4;
	v3 =	vadd.f32 v58, v3  }
0x107: {  	v38 =	vld.idx.msk [tilespmem:v38+s8+$0x0], $0xffff;
	v2 =	vadd.f32 v53, v2;
	v5 =	vadd.f32 v43, v5  }
0x108: {  	v34 =	vld.idx.msk [tilespmem:v34+s8+$0x0], $0xffff;
	v4 =	vadd.f32 v52, v4;
	v3 =	vadd.f32 v55, v3  }
0x109: {  	v35 =	vld.idx.msk [tilespmem:v35+s8+$0x0], $0xffff;
	v2 =	vadd.f32 v39, v2;
	v5 =	vadd.f32 v63, v5  }
0x10a: {  	v4 =	vadd.f32 v40, v4;
	v3 =	vadd.f32 v51, v3  }
0x10b: {  	v2 =	vadd.f32 v61, v2;
	v5 =	vadd.f32 v42, v5  }
0x10c: {  	v1 =	vadd.f32 v1, v4;
	v3 =	vadd.f32 v38, v3  }
0x10d: {  	v2 =	vadd.f32 v36, v2;
	v53 =	vadd.f32 v37, v5  }
0x10e: {  	v1 =	vadd.f32 v34, v1;
	v3 =	vadd.f32 v35, v3;
	_ =	sdelay $0x1  }
0x10f: {  	v54 =	vadd.s32 s17, v0;
	v1 =	vadd.f32 v1, v2;
	v2 =	vadd.f32 v3, v53  }
0x110: {  	v5 =	vand.u32 $0xF, v54  }
0x111: {  	v5 =	vor.u32 v5, v33;
	v1 =	vadd.f32 v2, v1;
	v2 =	vld [tilespmem:$0x1FF90];
	_ =	sdelay $0x4  }
0x112: {  	[tilespmem:v5+s12+$0x0] =	vst.idx.msk $0xffff, v1  }
0x113: {  	v1 =	vld.idx.msk [tilespmem:v8+s12+$0x0], $0xffff;
	_ =	sdelay $0x1  }
0x114: {  	v2 =	vld.idx.msk [tilespmem:v2+s12+$0x0], $0xffff  }
0x115: {  	v3 =	vld [tilespmem:$0x1FFA0];
	_ =	sdelay $0x1  }
0x116: {  	v55 =	vld [tilespmem:$0x1FFB0];
	v1 =	vadd.f32 $0.0e+00, v1;
	_ =	sdelay $0x1  }
0x117: {  	v1 =	vadd.f32 v2, v1;
	v2 =	vld [tilespmem:$0x1FFC0];
	_ =	sdelay $0x3  }
0x118: {  	v3 =	vld.idx.msk [tilespmem:v3+s12+$0x0], $0xffff;
	_ =	sdelay $0x1  }
0x119: {  	v4 =	vld.idx.msk [tilespmem:v55+s12+$0x0], $0xffff;
	_ =	sdelay $0x1  }
0x11a: {  	v2 =	vld.idx.msk [tilespmem:v2+s12+$0x0], $0xffff  }
0x11b: {  	v1 =	vadd.f32 v3, v1;
	v3 =	vld [tilespmem:$0x1FFD0];
	_ =	sdelay $0x1  }
0x11c: {  	v56 =	vld [tilespmem:$0x1FFE0];
	v1 =	vadd.f32 v4, v1;
	_ =	sdelay $0x1  }
0x11d: {  	v1 =	vadd.f32 v2, v1;
	v2 =	vld [tilespmem:$0x1FFF0];
	_ =	sdelay $0x3  }
0x11e: {  	v3 =	vld.idx.msk [tilespmem:v3+s12+$0x0], $0xffff;
	_ =	sdelay $0x1  }
0x11f: {  	v4 =	vld.idx.msk [tilespmem:v56+s12+$0x0], $0xffff;
	_ =	sdelay $0x1  }
0x120: {  	v2 =	vld.idx.msk [tilespmem:v2+s12+$0x0], $0xffff  }
0x121: {  	v1 =	vadd.f32 v3, v1  }
0x122: {  	v3 =	vld.idx.msk [tilespmem:v9+s12+$0x0], $0xffff  }
0x123: {  	v1 =	vadd.f32 v4, v1  }
0x124: {  	v57 =	vld.idx.msk [tilespmem:v10+s12+$0x0], $0xffff  }
0x125: {  	v1 =	vadd.f32 v2, v1  }
0x126: {  	v2 =	vld.idx.msk [tilespmem:v11+s12+$0x0], $0xffff  }
0x127: {  	v1 =	vadd.f32 v3, v1  }
0x128: {  	v3 =	vld.idx.msk [tilespmem:v12+s12+$0x0], $0xffff  }
0x129: {  	v1 =	vadd.f32 v57, v1  }
0x12a: {  	v58 =	vld.idx.msk [tilespmem:v13+s12+$0x0], $0xffff  }
0x12b: {  	v1 =	vadd.f32 v2, v1  }
0x12c: {  	v2 =	vld.idx.msk [tilespmem:v14+s12+$0x0], $0xffff  }
0x12d: {  	v1 =	vadd.f32 v3, v1  }
0x12e: {  	v3 =	vld.idx.msk [tilespmem:v15+s12+$0x0], $0xffff  }
0x12f: {  	v1 =	vadd.f32 v58, v1  }
0x130: {  	v59 =	vld.idx.msk [tilespmem:v16+s12+$0x0], $0xffff  }
0x131: {  	v1 =	vadd.f32 v2, v1;
	_ =	sdelay $0x1  }
0x132: {  	v1 =	vadd.f32 v3, v1;
	_ =	sdelay $0x1  }
0x133: {  	v1 =	vadd.f32 v59, v1;
	_ =	sdelay $0x1  }
0x134: {  	[tilespmem:$0x2A00] =	vst v1  }
0x135: {  	s18 =	simm.s32 $0x1000;
	s17 =	simm.s32 $0x0;
	_ =	swait.ge [sflag:s13], $0x1000  }
0x136: {  	s19 =	sand.u32 $0x1800, s18;
	s20 =	sand.u32 $0x380, s17;
	[sflag:s13] =	ssyncset.done $0x0  }
0x137: {  	s19 =	sor.u32 s20, s19;
	[sflag:s13] =	ssyncadd.s32 $0xFFFFF000  }
0x138: {  	v1 =	vld [tilespmem:s19+$0x470]  }
0x139: {  	v2 =	vld [tilespmem:s19+$0x50]  }
0x13a: {  	v3 =	vld [tilespmem:s19+$0x40]  }
0x13b: {  	v4 =	vld [tilespmem:s19+$0x20]  }
0x13c: {  	v5 =	vld [tilespmem:s19+$0x460]  }
0x13d: {  	v53 =	vld [tilespmem:s19+$0x410]  }
0x13e: {  	v35 =	vld [tilespmem:s19+$0x420]  }
0x13f: {  	v36 =	vld [tilespmem:s19+$0x60]  }
0x140: {  	v38 =	vld [tilespmem:s19+$0x30]  }
0x141: {  	v60 =	vld [tilespmem:s19+$0x0]  }
0x142: {  	v41 =	vld [tilespmem:s19+$0x400]  }
0x143: {  	v45 =	vld [tilespmem:s19+$0x10];
	v61 =	vunpack.i.l.s16.s32 v3  }
0x144: {  	v51 =	vld [tilespmem:s19+$0x70];
	v62 =	vunpack.i.l.s16.s32 v4  }
0x145: {  	v55 =	vld [tilespmem:s19+$0x450];
	v63 =	vunpack.i.l.s16.s32 v36  }
0x146: {  	s20 =	simm.s32 $0x10;
	v57 =	vld [tilespmem:s19+$0x430];
	v58 =	vunpack.i.l.s16.s32 v1  }
0x147: {  	v33 =	vadd.s32 s20, v0;
	v6 =	vld [tilespmem:s19+$0x440];
	v59 =	vunpack.i.u.s16.s32 v35  }
0x148: {  	v47 =	vunpack.i.u.s16.s32 v3;
	v37 =	vunpack.i.l.s16.s32 v5;
	v3 =	vunpack.i.u.s16.s32 v60;
	v42 =	vld.idx.msk [tilespmem:v61+s8+$0x0], $0xffff  }
0x149: {  	v34 =	vunpack.i.u.s16.s32 v5;
	v4 =	vunpack.i.u.s16.s32 v4;
	v48 =	vunpack.i.u.s16.s32 v36;
	v49 =	vld.idx.msk [tilespmem:v62+s8+$0x0], $0xffff  }
0x14a: {  	v43 =	vunpack.i.l.s16.s32 v53;
	v39 =	vunpack.i.l.s16.s32 v35;
	v5 =	vunpack.i.l.s16.s32 v60;
	v44 =	vld.idx.msk [tilespmem:v63+s8+$0x0], $0xffff  }
0x14b: {  	v35 =	vunpack.i.u.s16.s32 v1;
	v50 =	vunpack.i.u.s16.s32 v2;
	v7 =	vunpack.i.l.s16.s32 v41;
	v36 =	vld.idx.msk [tilespmem:v58+s8+$0x0], $0xffff  }
0x14c: {  	v46 =	vunpack.i.l.s16.s32 v2;
	v52 =	vunpack.i.u.s16.s32 v41;
	v63 =	vunpack.i.u.s16.s32 v38;
	v40 =	vld.idx.msk [tilespmem:v59+s8+$0x0], $0xffff  }
0x14d: {  	v56 =	vunpack.i.u.s16.s32 v45;
	v60 =	vunpack.i.l.s16.s32 v45;
	v54 =	vunpack.i.l.s16.s32 v51;
	v61 =	vld.idx.msk [tilespmem:v3+s8+$0x0], $0xffff  }
0x14e: {  	v41 =	vunpack.i.l.s16.s32 v55;
	v45 =	vunpack.i.u.s16.s32 v57;
	v62 =	vunpack.i.l.s16.s32 v38;
	v59 =	vld.idx.msk [tilespmem:v4+s8+$0x0], $0xffff  }
0x14f: {  	v1 =	vunpack.i.u.s16.s32 v6;
	v58 =	vunpack.i.u.s16.s32 v51;
	v38 =	vunpack.i.u.s16.s32 v55;
	v2 =	vld.idx.msk [tilespmem:v5+s8+$0x0], $0xffff  }
0x150: {  	s21 =	simm.s32 $0x110;
	s19 =	simm.s32 $0x100;
	v51 =	vunpack.i.l.s16.s32 v57;
	v55 =	vunpack.i.u.s16.s32 v53;
	v57 =	vunpack.i.l.s16.s32 v6;
	v53 =	vld.idx.msk [tilespmem:v7+s8+$0x0], $0xffff  }
.LBB2_4:
0x151: {  	v3 =	vld.idx.msk [tilespmem:v63+s8+$0x0], $0xffff;
	s17 =	sadd.s32 $0x80, s17;
	s20 =	sadd.s32 $0x1, s20;
	s18 =	sadd.s32 $0x100, s18  }
0x152: {  	p0 =	sne.s32 s21, $0x1F0;
	s23 =	smov.u32 s21;
	s21 =	sadd.s32 $0x10, s21;
	v4 =	vadd.s32 s20, v0;
	v5 =	vld.idx.msk [tilespmem:v47+s8+$0x0], $0xffff  }
0x153: {  	v6 =	vld.idx.msk [tilespmem:v62+s8+$0x0], $0xffff  }
0x154: {  	v1 =	vld.idx.msk [tilespmem:v1+s8+$0x0], $0xffff  }
0x155: {  	v2 =	vadd.f32 $0.0e+00, v2;
	v7 =	vld.idx.msk [tilespmem:v60+s8+$0x0], $0xffff  }
0x156: {  	v47 =	vld.idx.msk [tilespmem:v48+s8+$0x0], $0xffff  }
0x157: {  	v48 =	vadd.f32 $0.0e+00, v61;
	v2 =	vadd.f32 v49, v2;
	v49 =	vld.idx.msk [tilespmem:v58+s8+$0x0], $0xffff  }
0x158: {  	v56 =	vld.idx.msk [tilespmem:v56+s8+$0x0], $0xffff  }
0x159: {  	v48 =	vadd.f32 v59, v48;
	v2 =	vadd.f32 v42, v2;
	v42 =	vld.idx.msk [tilespmem:v50+s8+$0x0], $0xffff  }
0x15a: {  	v50 =	vld.idx.msk [tilespmem:v52+s8+$0x0], $0xffff  }
0x15b: {  	v5 =	vadd.f32 v5, v48;
	v2 =	vadd.f32 v44, v2;
	v43 =	vld.idx.msk [tilespmem:v43+s8+$0x0], $0xffff  }
0x15c: {  	v7 =	vadd.f32 $0.0e+00, v7;
	v44 =	vld.idx.msk [tilespmem:v46+s8+$0x0], $0xffff  }
0x15d: {  	v5 =	vadd.f32 v47, v5;
	v46 =	vld.idx.msk [tilespmem:v54+s8+$0x0], $0xffff  }
0x15e: {  	v6 =	vadd.f32 v6, v7;
	v47 =	vadd.f32 $0.0e+00, v56;
	v7 =	vld.idx.msk [tilespmem:v39+s8+$0x0], $0xffff  }
0x15f: {  	v39 =	vld.idx.msk [tilespmem:v57+s8+$0x0], $0xffff  }
0x160: {  	v3 =	vadd.f32 v3, v47;
	v5 =	vadd.f32 v50, v5;
	v47 =	vld.idx.msk [tilespmem:v55+s8+$0x0], $0xffff  }
0x161: {  	v48 =	vld.idx.msk [tilespmem:v51+s8+$0x0], $0xffff  }
0x162: {  	v2 =	vadd.f32 v53, v2;
	v6 =	vadd.f32 v44, v6;
	v37 =	vld.idx.msk [tilespmem:v37+s8+$0x0], $0xffff  }
0x163: {  	v3 =	vadd.f32 v42, v3;
	v5 =	vadd.f32 v40, v5;
	v40 =	vld.idx.msk [tilespmem:v45+s8+$0x0], $0xffff  }
0x164: {  	v6 =	vadd.f32 v46, v6;
	v2 =	vadd.f32 v7, v2;
	v7 =	vld.idx.msk [tilespmem:v41+s8+$0x0], $0xffff  }
0x165: {  	v3 =	vadd.f32 v49, v3;
	v1 =	vadd.f32 v1, v5;
	v5 =	vld.idx.msk [tilespmem:v38+s8+$0x0], $0xffff  }
0x166: {  	v6 =	vadd.f32 v43, v6;
	v2 =	vadd.f32 v39, v2;
	v34 =	vld.idx.msk [tilespmem:v34+s8+$0x0], $0xffff  }
0x167: {  	s22 =	sand.u32 $0x1800, s18;
	s24 =	sand.u32 $0x380, s17;
	v3 =	vadd.f32 v47, v3;
	v35 =	vld.idx.msk [tilespmem:v35+s8+$0x0], $0xffff  }
0x168: {  	s22 =	sor.u32 s24, s22;
	v6 =	vadd.f32 v48, v6;
	v2 =	vadd.f32 v37, v2  }
0x169: {  	v3 =	vadd.f32 v40, v3  }
0x16a: {  	v6 =	vadd.f32 v7, v6;
	v7 =	vmov s19;
	s19 =	smov.u32 s23  }
0x16b: {  	v3 =	vadd.f32 v5, v3;
	v5 =	vand.u32 $0xFFFFFFF0, v7  }
0x16c: {  	v6 =	vadd.f32 v36, v6;
	v5 =	vbroadcast v5, $0x0  }
0x16d: {  	v7 =	vand.u32 $0xF, v33;
	v33 =	vmovc v4;
	v1 =	vadd.f32 v34, v1;
	v3 =	vadd.f32 v35, v3  }
0x16e: {  	v4 =	vor.u32 v7, v5  }
0x16f: {  	v1 =	vadd.f32 v1, v2;
	v2 =	vadd.f32 v3, v6;
	_ =	sdelay $0x1  }
0x170: {  	v1 =	vadd.f32 v2, v1;
	_ =	sdelay $0x1  }
0x171: {  	[tilespmem:v4+s12+$0x0] =	vst.idx.msk $0xffff, v1  }
0x172: {  	v1 =	vld [tilespmem:s22+$0x470]  }
0x173: {  	v2 =	vld [tilespmem:s22+$0x50]  }
0x174: {  	v3 =	vld [tilespmem:s22+$0x40]  }
0x175: {  	v4 =	vld [tilespmem:s22+$0x20]  }
0x176: {  	v5 =	vld [tilespmem:s22+$0x460]  }
0x177: {  	v6 =	vld [tilespmem:s22+$0x410]  }
0x178: {  	v7 =	vld [tilespmem:s22+$0x420]  }
0x179: {  	v35 =	vld [tilespmem:s22+$0x60]  }
0x17a: {  	v36 =	vld [tilespmem:s22+$0x30]  }
0x17b: {  	v47 =	vunpack.i.u.s16.s32 v3;
	v3 =	vunpack.i.l.s16.s32 v3;
	v38 =	vld [tilespmem:s22+$0x0];
	v37 =	vunpack.i.l.s16.s32 v5  }
0x17c: {  	v34 =	vunpack.i.u.s16.s32 v5;
	v40 =	vld [tilespmem:s22+$0x400]  }
0x17d: {  	v53 =	vunpack.i.u.s16.s32 v4;
	v4 =	vunpack.i.l.s16.s32 v4;
	v5 =	vld [tilespmem:s22+$0x10]  }
0x17e: {  	v43 =	vunpack.i.l.s16.s32 v6;
	v48 =	vunpack.i.u.s16.s32 v35;
	v41 =	vunpack.i.l.s16.s32 v35;
	v45 =	vld [tilespmem:s22+$0x70]  }
0x17f: {  	v57 =	vunpack.i.u.s16.s32 v7;
	v39 =	vunpack.i.l.s16.s32 v7;
	v35 =	vunpack.i.u.s16.s32 v1;
	v7 =	vld [tilespmem:s22+$0x450]  }
0x180: {  	v50 =	vunpack.i.u.s16.s32 v2;
	v46 =	vunpack.i.l.s16.s32 v2;
	v1 =	vunpack.i.l.s16.s32 v1;
	v2 =	vld [tilespmem:s22+$0x430]  }
0x181: {  	v63 =	vunpack.i.u.s16.s32 v36;
	v42 =	vld.idx.msk [tilespmem:v3+s8+$0x0], $0xffff;
	v52 =	vunpack.i.u.s16.s32 v40;
	v3 =	vunpack.i.l.s16.s32 v40  }
0x182: {  	v62 =	vunpack.i.l.s16.s32 v36;
	v59 =	vunpack.i.u.s16.s32 v38;
	v56 =	vunpack.i.u.s16.s32 v5;
	v49 =	vld.idx.msk [tilespmem:v4+s8+$0x0], $0xffff  }
0x183: {  	v60 =	vunpack.i.l.s16.s32 v5;
	v44 =	vld.idx.msk [tilespmem:v41+s8+$0x0], $0xffff;
	v58 =	vunpack.i.u.s16.s32 v45;
	v54 =	vunpack.i.l.s16.s32 v45  }
0x184: {  	v4 =	vunpack.i.l.s16.s32 v38;
	v5 =	vld [tilespmem:s22+$0x440];
	v38 =	vunpack.i.u.s16.s32 v7;
	v41 =	vunpack.i.l.s16.s32 v7  }
0x185: {  	v45 =	vunpack.i.u.s16.s32 v2;
	v51 =	vunpack.i.l.s16.s32 v2;
	v36 =	vld.idx.msk [tilespmem:v1+s8+$0x0], $0xffff  }
.Ltmp1:
0x186: {  	v55 =	vunpack.i.u.s16.s32 v6;
	v40 =	vld.idx.msk [tilespmem:v57+s8+$0x0], $0xffff;
	(pc) =	sbr.rel @p0 .LBB2_4-.Ltmp1, $4  }
0x187: {  	v61 =	vld.idx.msk [tilespmem:v59+s8+$0x0], $0xffff  }
0x188: {  	v59 =	vld.idx.msk [tilespmem:v53+s8+$0x0], $0xffff  }
0x189: {  	v2 =	vld.idx.msk [tilespmem:v4+s8+$0x0], $0xffff;
	v1 =	vunpack.i.u.s16.s32 v5;
	v57 =	vunpack.i.l.s16.s32 v5  }
0x18a: {  	v53 =	vld.idx.msk [tilespmem:v3+s8+$0x0], $0xffff  }
0x18b: {  	_ =	sdelay $0x3  }
0x18c: {  	v3 =	vld.idx.msk [tilespmem:v63+s8+$0x0], $0xffff  }
0x18d: {  	v4 =	vld.idx.msk [tilespmem:v47+s8+$0x0], $0xffff  }
0x18e: {  	v5 =	vld.idx.msk [tilespmem:v62+s8+$0x0], $0xffff  }
0x18f: {  	v1 =	vld.idx.msk [tilespmem:v1+s8+$0x0], $0xffff  }
0x190: {  	v6 =	vld.idx.msk [tilespmem:v60+s8+$0x0], $0xffff  }
0x191: {  	v7 =	vld.idx.msk [tilespmem:v48+s8+$0x0], $0xffff  }
0x192: {  	v47 =	vld.idx.msk [tilespmem:v58+s8+$0x0], $0xffff  }
0x193: {  	v60 =	vld.idx.msk [tilespmem:v56+s8+$0x0], $0xffff  }
0x194: {  	v50 =	vld.idx.msk [tilespmem:v50+s8+$0x0], $0xffff  }
0x195: {  	v52 =	vld.idx.msk [tilespmem:v52+s8+$0x0], $0xffff  }
0x196: {  	v43 =	vld.idx.msk [tilespmem:v43+s8+$0x0], $0xffff  }
0x197: {  	v46 =	vld.idx.msk [tilespmem:v46+s8+$0x0], $0xffff  }
0x198: {  	v54 =	vld.idx.msk [tilespmem:v54+s8+$0x0], $0xffff;
	v62 =	vadd.f32 $0.0e+00, v61;
	v2 =	vadd.f32 $0.0e+00, v2  }
0x199: {  	v39 =	vld.idx.msk [tilespmem:v39+s8+$0x0], $0xffff;
	v6 =	vadd.f32 $0.0e+00, v6;
	v48 =	vadd.f32 $0.0e+00, v60  }
0x19a: {  	v56 =	vld.idx.msk [tilespmem:v55+s8+$0x0], $0xffff;
	v63 =	vadd.f32 v59, v62;
	v2 =	vadd.f32 v49, v2  }
0x19b: {  	v37 =	vld.idx.msk [tilespmem:v37+s8+$0x0], $0xffff;
	v5 =	vadd.f32 v5, v6;
	v3 =	vadd.f32 v3, v48  }
0x19c: {  	v58 =	vld.idx.msk [tilespmem:v45+s8+$0x0], $0xffff;
	v4 =	vadd.f32 v4, v63;
	v2 =	vadd.f32 v42, v2  }
0x19d: {  	v6 =	vld.idx.msk [tilespmem:v57+s8+$0x0], $0xffff;
	v5 =	vadd.f32 v46, v5;
	v3 =	vadd.f32 v50, v3  }
0x19e: {  	v57 =	vld.idx.msk [tilespmem:v51+s8+$0x0], $0xffff;
	v4 =	vadd.f32 v7, v4;
	v2 =	vadd.f32 v44, v2  }
0x19f: {  	v38 =	vld.idx.msk [tilespmem:v38+s8+$0x0], $0xffff;
	v5 =	vadd.f32 v54, v5;
	v3 =	vadd.f32 v47, v3  }
0x1a0: {  	v7 =	vld.idx.msk [tilespmem:v41+s8+$0x0], $0xffff;
	v4 =	vadd.f32 v52, v4;
	v2 =	vadd.f32 v53, v2  }
0x1a1: {  	v34 =	vld.idx.msk [tilespmem:v34+s8+$0x0], $0xffff;
	v5 =	vadd.f32 v43, v5;
	v3 =	vadd.f32 v56, v3  }
0x1a2: {  	v35 =	vld.idx.msk [tilespmem:v35+s8+$0x0], $0xffff;
	v4 =	vadd.f32 v40, v4;
	v2 =	vadd.f32 v39, v2  }
0x1a3: {  	v5 =	vadd.f32 v57, v5;
	v3 =	vadd.f32 v58, v3  }
0x1a4: {  	v1 =	vadd.f32 v1, v4;
	v2 =	vadd.f32 v6, v2;
	v6 =	vmov s19  }
0x1a5: {  	v59 =	vand.u32 $0xFFFFFFF0, v6;
	v5 =	vadd.f32 v7, v5;
	v3 =	vadd.f32 v38, v3  }
0x1a6: {  	v1 =	vadd.f32 v34, v1;
	v2 =	vadd.f32 v37, v2;
	v4 =	vbroadcast v59, $0x0  }
0x1a7: {  	v6 =	vand.u32 $0xF, v33;
	v5 =	vadd.f32 v36, v5;
	v3 =	vadd.f32 v35, v3  }
0x1a8: {  	v4 =	vor.u32 v6, v4  }
0x1a9: {  	v1 =	vadd.f32 v1, v2;
	v2 =	vadd.f32 v3, v5;
	_ =	sdelay $0x1  }
0x1aa: {  	v1 =	vadd.f32 v2, v1;
	_ =	sdelay $0x1  }
0x1ab: {  	[tilespmem:v4+s12+$0x0] =	vst.idx.msk $0xffff, v1  }
0x1ac: {  	v1 =	vld.idx.msk [tilespmem:v17+s12+$0x0], $0xffff;
	_ =	sdelay $0x1  }
0x1ad: {  	v2 =	vld.idx.msk [tilespmem:v18+s12+$0x0], $0xffff;
	_ =	sdelay $0x1  }
0x1ae: {  	v3 =	vld.idx.msk [tilespmem:v19+s12+$0x0], $0xffff  }
0x1af: {  	v1 =	vadd.f32 $0.0e+00, v1  }
0x1b0: {  	v4 =	vld.idx.msk [tilespmem:v20+s12+$0x0], $0xffff  }
0x1b1: {  	v1 =	vadd.f32 v2, v1  }
0x1b2: {  	v2 =	vld.idx.msk [tilespmem:v21+s12+$0x0], $0xffff  }
0x1b3: {  	v1 =	vadd.f32 v3, v1  }
0x1b4: {  	v3 =	vld.idx.msk [tilespmem:v22+s12+$0x0], $0xffff  }
0x1b5: {  	v1 =	vadd.f32 v4, v1  }
0x1b6: {  	v60 =	vld.idx.msk [tilespmem:v23+s12+$0x0], $0xffff  }
0x1b7: {  	v1 =	vadd.f32 v2, v1  }
0x1b8: {  	v2 =	vld.idx.msk [tilespmem:v24+s12+$0x0], $0xffff  }
0x1b9: {  	v1 =	vadd.f32 v3, v1  }
0x1ba: {  	v3 =	vld.idx.msk [tilespmem:v25+s12+$0x0], $0xffff  }
0x1bb: {  	v1 =	vadd.f32 v60, v1  }
0x1bc: {  	v61 =	vld.idx.msk [tilespmem:v26+s12+$0x0], $0xffff  }
0x1bd: {  	v1 =	vadd.f32 v2, v1  }
0x1be: {  	v2 =	vld.idx.msk [tilespmem:v27+s12+$0x0], $0xffff  }
0x1bf: {  	v1 =	vadd.f32 v3, v1  }
0x1c0: {  	v3 =	vld.idx.msk [tilespmem:v28+s12+$0x0], $0xffff  }
0x1c1: {  	v1 =	vadd.f32 v61, v1  }
0x1c2: {  	v62 =	vld.idx.msk [tilespmem:v29+s12+$0x0], $0xffff  }
0x1c3: {  	v1 =	vadd.f32 v2, v1  }
0x1c4: {  	v2 =	vld.idx.msk [tilespmem:v30+s12+$0x0], $0xffff  }
0x1c5: {  	v1 =	vadd.f32 v3, v1  }
0x1c6: {  	v3 =	vld.idx.msk [tilespmem:v31+s12+$0x0], $0xffff  }
0x1c7: {  	v1 =	vadd.f32 v62, v1  }
0x1c8: {  	v63 =	vld.idx.msk [tilespmem:v32+s12+$0x0], $0xffff  }
0x1c9: {  	v1 =	vadd.f32 v2, v1;
	_ =	sdelay $0x1  }
0x1ca: {  	v1 =	vadd.f32 v3, v1;
	_ =	sdelay $0x1  }
0x1cb: {  	s16 =	sadd.s32 $0x1, s16;
	v1 =	vadd.f32 v63, v1  }
0x1cc: {  	p0 =	sne.s32 s16, s7  }
.Ltmp2:
0x1cd: {  	[tilespmem:$0x2A10] =	vst v1;
	(pc) =	sbr.rel @p0 .LBB2_1-.Ltmp2, $4  }
0x1ce: {  	[hbm4b:s6+s2] =	stream.linear.scatter [tilespmem:s14], [sflag:$0x4], $0x20, $0x38;
	[tilespmem:$0x2A80] =	vst v63  }
0x1cf: {  	_ =	swait.ge [sflag:s15], $0x20  }
0x1d0: {  	[sflag:s15] =	ssyncset.done $0x0  }
0x1d1: {  	[sflag:s15] =	ssyncadd.s32 $0xFFFFFFE0  }
0x1d2: {  	_ =	sfence.sel $0x180000  }
0x1d3: {  	[bflag:$0x0] =	sbarrier.arrive $0xFFFF  }
0x1d4: {  	p0 =	sne.s32 s1, $0x0;
	_ =	strace $0x90000047  }
0x1d5: {  	s0 =	sadd.s32 @!p0 $0x100000, s0;
	[bflag:$0x2] =	sbarrier.arrive $0xFFFF  }
0x1d6: {  	[sflag:s0] =	ssyncadd.tile.s32 @!p0 $0x1;
	_ =	shalt  }
.Lfunc_end2:
_tile_overlayer_lowered:
.L_overlay_start_2:
0x1d7: {  	(tag) =	ssettag $0x2  }
0x1d8: {  	s0 =	rddreg [dreg:$0x0];
	s2 =	stileid.u32  }
0x1d9: {  	s1 =	rddreg [dreg:$0x1];
	p0 =	sne.s32 s2, $0x0  }
0x1da: {  	s3 =	rddreg [dreg:$0x2];
	[bflag:$0x3] =	sbarrier.arrive $0xFFFF;
	s2 =	simm.s32 @!p0 $0x1C04  }
0x1db: {  	[timem:s3], [sflag:s2] =	dma.local @!p0 [hbm:s0], s1  }
0x1dc: {  	s0 =	simm.s32 @!p0 $0x4  }
0x1dd: {  	_ =	swait.ge @!p0 [sflag:s0], s1  }
0x1de: {  	s1 =	ssub.s32 @!p0 $0x0, s1;
	[sflag:s0] =	ssyncset.done @!p0 $0x0  }
0x1df: {  	[sflag:s0] =	ssyncadd.s32 @!p0 s1  }
0x1e0: {  	[bflag:$0x3] =	sbarrier.arrive $0xFFFF  }
0x1e1: {  	_ =	shalt  }

</sc_bundles>
